<compile_context>
chip_gen: v7x
topology: tpu7x:2x2x1
jax: 0.10.2.dev20260603
libtpu: 0.0.44.dev20260713+nightly
codegen_flags: <defaults>
</compile_context>

<pallas_src>
import functools

import jax
import jax.numpy as jnp
from jax import lax
from jax.experimental import pallas as pl
from jax.experimental.pallas import tpu as pltpu
from jax.experimental.pallas import tpu_sc as plsc

RING_ID_START = 4
RING_ID_END = 104
NSLOT = 128
B, S, E, H = 16, 2048, 256, 64
ROUT = RING_ID_END - RING_ID_START

_NC, _NS = 2, 16
_NW = _NC * _NS
_BPW = (B * NSLOT) // _NW



def _winner_body(seq_ref, flat_ref, mask_ref):
    for b in range(B):
        row = seq_ref[b, :]
        valid = (row >= RING_ID_START) & (row <= RING_ID_END - 1)
        slot = jnp.where(valid, row - RING_ID_START, -1)
        slotb = jnp.broadcast_to(slot[None, :], (NSLOT, S))
        jcol = lax.broadcasted_iota(jnp.int32, (NSLOT, S), 0)
        siota = lax.broadcasted_iota(jnp.int32, (NSLOT, S), 1)
        vals = jnp.where(slotb == jcol, siota, -1)
        winner = jnp.max(vals, axis=1)
        flat_ref[b, :] = jnp.maximum(winner, 0) + b * S
        mask_ref[b, 0, :] = (winner >= 0).astype(jnp.float32)


def _winner_call(sequences):
    return pl.pallas_call(
        _winner_body,
        out_shape=(
            jax.ShapeDtypeStruct((B, NSLOT), jnp.int32),
            jax.ShapeDtypeStruct((B, 1, NSLOT), jnp.float32),
        ),
    )(sequences)



def _gather_sc_body(table_hbm, idx_hbm, out_hbm, idx_v, rows_v, sem):
    wid = lax.axis_index("s") * _NC + lax.axis_index("c")
    base = wid * _BPW
    pltpu.sync_copy(idx_hbm.at[pl.ds(base, _BPW)], idx_v)
    pltpu.async_copy(table_hbm.at[idx_v], rows_v, sem).wait()
    pltpu.sync_copy(rows_v, out_hbm.at[pl.ds(base, _BPW)])


@functools.cache
def _gather_sc_kernel():
    return pl.kernel(
        _gather_sc_body,
        mesh=plsc.VectorSubcoreMesh(core_axis_name="c", subcore_axis_name="s"),
        out_type=jax.ShapeDtypeStruct((B * NSLOT, E), jnp.float32),
        scratch_types=[
            pltpu.VMEM((_BPW,), jnp.int32),
            pltpu.VMEM((_BPW, E), jnp.float32),
            pltpu.SemaphoreType.DMA,
        ],
    )


def _gather_sc(table, idx):
    return _gather_sc_kernel()(table, idx)



def _fold_body(xg_ref, m_ref, w0t_ref, b0_ref, w1t_ref, b1_ref,
               n_ref, c_ref):
    scale = H ** -0.5
    for b in range(B):
        xg = xg_ref[b]
        m = m_ref[b]
        out1t = lax.dot_general(xg, w1t_ref[...], (((1,), (1,)), ((), ())),
                                preferred_element_type=jnp.float32,
                                precision=lax.Precision.HIGHEST) + b1_ref[...]
        n_ref[b] = lax.dot_general(w0t_ref[...], out1t,
                                   (((0,), (1,)), ((), ())),
                                   preferred_element_type=jnp.float32,
                                   precision=lax.Precision.HIGHEST) * (
                                       m * scale)
        crow = lax.dot_general(b0_ref[...], out1t,
                               (((0,), (1,)), ((), ())),
                               preferred_element_type=jnp.float32,
                               precision=lax.Precision.HIGHEST)[None, :] * (
                                   m * scale)
        c_ref[b] = jnp.transpose(crow, (1, 0))


def _fold_call(xg, maskf, W0, b0, W1, b1):
    return pl.pallas_call(
        _fold_body,
        out_shape=(
            jax.ShapeDtypeStruct((B, E, NSLOT), jnp.float32),
            jax.ShapeDtypeStruct((B, NSLOT, 1), jnp.float32),
        ),
    )(xg, maskf, jnp.transpose(W0), b0, jnp.transpose(W1), b1)


BG = 8
SCHUNK = 512


def _logits_body(x_ref, n_ref, c_ref, out_ref):
    accs = []
    for bb in range(BG):
        acc_t = lax.dot_general(n_ref[bb], x_ref[bb],
                                (((0,), (1,)), ((), ())),
                                preferred_element_type=jnp.float32)
        accs.append(acc_t + c_ref[bb])
    stacked = jnp.stack(accs, axis=0)
    out_ref[...] = jnp.transpose(stacked, (1, 0, 2))[:ROUT]


def _logits_call(x, n_all, c_all):
    out = pl.pallas_call(
        _logits_body,
        grid=(B // BG, S // SCHUNK),
        in_specs=[
            pl.BlockSpec((BG, SCHUNK, E), lambda g, sc: (g, sc, 0)),
            pl.BlockSpec((BG, E, NSLOT), lambda g, sc: (g, 0, 0)),
            pl.BlockSpec((BG, NSLOT, 1), lambda g, sc: (g, 0, 0)),
        ],
        out_specs=pl.BlockSpec((ROUT, BG, SCHUNK), lambda g, sc: (0, g, sc)),
        out_shape=jax.ShapeDtypeStruct((ROUT, B, S), jnp.float32),
    )(x, n_all, c_all)
    return jnp.transpose(out, (1, 2, 0))


def kernel(x, sequences, W0, b0, W1, b1):
    flat_idx, maskf = _winner_call(sequences)
    xg = _gather_sc(x.reshape(B * S, E), flat_idx.reshape(B * NSLOT))
    n_all, c_all = _fold_call(xg.reshape(B, NSLOT, E), maskf, W0, b0, W1, b1)
    return _logits_call(x, n_all, c_all)

# --- scband reference (transcript-rebuilt; emitter-appended) ---
"""Pipeline reference for scband-edge-logit-layer-26053271617951 (READ-ONLY COPY).

The authoritative reference and input builder live on the scoring server;
editing this copy changes nothing except your own understanding.
"""

import jax, jax.numpy as jnp
import numpy as np

RING_ID_START = 4
RING_ID_END = 104

B, S, E, H = 16, 2048, 256, 64


def setup_inputs(seed: int = 0) -> dict:
    key = jax.random.key(seed)
    k1, k2, k3, k4, k5, k6 = jax.random.split(key, 6)
    x = jax.random.normal(k1, (B, S, E), dtype=jnp.float32)
    sequences = jax.random.randint(k2, (B, S), 0, 120, dtype=jnp.int32)
    # Linear params stored as [in, out] so forward is x @ W + b
    W0 = jax.random.normal(k3, (E, H), dtype=jnp.float32) * (E ** -0.5)
    b0 = jax.random.normal(k4, (H,), dtype=jnp.float32) * 0.01
    W1 = jax.random.normal(k5, (E, H), dtype=jnp.float32) * (E ** -0.5)
    b1 = jax.random.normal(k6, (H,), dtype=jnp.float32) * 0.01
    return {"x": x, "sequences": sequences, "W0": W0, "b0": b0, "W1": W1, "b1": b1}


def reference(x, sequences, W0, b0, W1, b1):
    batch_size, seq_len, _ = x.shape
    hidden_dim = W0.shape[1]
    scale = hidden_dim ** (-0.5)
    out0 = x @ W0 + b0  # [B, S, H]
    out1_ = x @ W1 + b1  # [B, S, H]
    # mask out-of-range ring ids to the sentinel slot (RING_ID_START - 1)
    mask = (sequences < RING_ID_START) | (sequences > RING_ID_END - 1)
    index_ = jnp.where(mask, RING_ID_START - 1, sequences)
    index_ = index_ - RING_ID_START + 1  # in [0, R], 0 = sentinel slot
    R = RING_ID_END - RING_ID_START + 1
    out1 = jnp.zeros((batch_size, R, hidden_dim), dtype=out1_.dtype)
    # scatter-overwrite along dim=1 (duplicates resolve arbitrarily, same as torch scatter_)
    out1 = out1.at[jnp.arange(batch_size)[:, None], index_].set(out1_)
    out1 = out1[:, 1:]  # drop sentinel slot -> [B, R-1, H]
    out1 = jnp.transpose(out1, (0, 2, 1))  # [B, H, R-1]
    logits = scale * jnp.einsum('bsh,bhr->bsr', out0, out1)
    return logits

if __name__ == "__main__":
    import jax
    _d = setup_inputs()
    print(jax.jit(kernel)(*tuple(_d.values())))

</pallas_src>

<mosaic_0001>
#map = affine_map<(d0, d1) -> (0, 0)>
#map1 = affine_map<(d0, d1) -> (0)>
module attributes {stable_mosaic.version = 14 : i64} {
  func.func @_gather_sc_body(%arg0: i32, %arg1: i32, %arg2: memref<32768x256xf32, #tpu.memory_space<hbm>>, %arg3: memref<2048xi32, #tpu.memory_space<hbm>>, %arg4: memref<2048x256xf32, #tpu.memory_space<hbm>>, %arg5: memref<64xi32, #tpu.memory_space<vmem>>, %arg6: memref<64x256xf32, #tpu.memory_space<vmem>>, %arg7: memref<!tpu.dma_semaphore, #tpu.memory_space<semaphore_mem>>) attributes {dimension_semantics = [#tpu.dimension_semantics<core_parallel>, #tpu.dimension_semantics<subcore_parallel>], iteration_bounds = array<i64: 2, 16>, scalar_prefetch = 0 : i64, scratch_operands = 3 : i64, tpu.core_type = #tpu.core_type<sc_vector_subcore>, window_params = [{transform_indices = #map}, {transform_indices = #map1}, {transform_indices = #map}]} {
    %mul3A = arith.constant 2 : i32
    %mul3A_0 = arith.muli %arg1, %mul3A : i32
    %add3A = arith.addi %mul3A_0, %arg0 : i32
    %mul3A_1 = arith.constant 64 : i32
    %mul3A_2 = arith.muli %add3A, %mul3A_1 : i32
    "tpu.region"() ({
      %run_scoped3A = tpu.sem_alloc : memref<!tpu.dma_semaphore, #tpu.memory_space<semaphore_mem>>
      %dma_start3A_7 = tpu.memref_slice %arg3[%mul3A_2] : memref<2048xi32, #tpu.memory_space<hbm>> -> memref<64xi32, #tpu.memory_space<hbm>>
      %dma_start3A_8 = tpu.memref_slice %arg3[%mul3A_2] : memref<2048xi32, #tpu.memory_space<hbm>> -> memref<64xi32, #tpu.memory_space<hbm>>
      tpu.enqueue_dma source(%dma_start3A_8 : memref<64xi32, #tpu.memory_space<hbm>>) target(%arg5 : memref<64xi32, #tpu.memory_space<vmem>>) target_semaphore(%run_scoped3A : memref<!tpu.dma_semaphore, #tpu.memory_space<semaphore_mem>>)
      %dma_wait3A_9 = tpu.memref_slice %arg3[%mul3A_2] : memref<2048xi32, #tpu.memory_space<hbm>> -> memref<64xi32, #tpu.memory_space<hbm>>
      %dma_wait3A_10 = tpu.memref_slice %arg3[%mul3A_2] : memref<2048xi32, #tpu.memory_space<hbm>> -> memref<64xi32, #tpu.memory_space<hbm>>
      tpu.wait_dma2 semaphore(%run_scoped3A : memref<!tpu.dma_semaphore, #tpu.memory_space<semaphore_mem>>) src(%dma_wait3A_10 : memref<64xi32, #tpu.memory_space<hbm>>) dst(%arg5 : memref<64xi32, #tpu.memory_space<vmem>>)
      tpu.yield
    }) : () -> ()
    %dma_start3A = arith.constant 0 : i32
    %dma_start3A_3 = arith.constant 0 : i32
    %dma_start3A_4 = tpu.memref_slice %arg2[%dma_start3A, %dma_start3A_3] : memref<32768x256xf32, #tpu.memory_space<hbm>> -> memref<32768x256xf32, #tpu.memory_space<hbm>>
    tpu.enqueue_indirect_dma source(%dma_start3A_4 : memref<32768x256xf32, #tpu.memory_space<hbm>>) target(%arg6 : memref<64x256xf32, #tpu.memory_space<vmem>>) offsets(%arg5 : memref<64xi32, #tpu.memory_space<vmem>>) semaphore(%arg7 : memref<!tpu.dma_semaphore, #tpu.memory_space<semaphore_mem>>)
    %dma_wait3A = arith.constant 0 : i32
    %dma_wait3A_5 = arith.constant 0 : i32
    %dma_wait3A_6 = tpu.memref_slice %arg2[%dma_wait3A, %dma_wait3A_5] : memref<32768x256xf32, #tpu.memory_space<hbm>> -> memref<32768x256xf32, #tpu.memory_space<hbm>>
    tpu.wait_indirect_dma semaphore(%arg7 : memref<!tpu.dma_semaphore, #tpu.memory_space<semaphore_mem>>) src(%dma_wait3A_6 : memref<32768x256xf32, #tpu.memory_space<hbm>>) dst(%arg6 : memref<64x256xf32, #tpu.memory_space<vmem>>)
    "tpu.region"() ({
      %run_scoped3A = tpu.sem_alloc : memref<!tpu.dma_semaphore, #tpu.memory_space<semaphore_mem>>
      %dma_start3A_7 = arith.constant 0 : i32
      %dma_start3A_8 = tpu.memref_slice %arg4[%mul3A_2, %dma_start3A_7] : memref<2048x256xf32, #tpu.memory_space<hbm>> -> memref<64x256xf32, #tpu.memory_space<hbm>>
      %dma_start3A_9 = arith.constant 0 : i32
      %dma_start3A_10 = tpu.memref_slice %arg4[%mul3A_2, %dma_start3A_9] : memref<2048x256xf32, #tpu.memory_space<hbm>> -> memref<64x256xf32, #tpu.memory_space<hbm>>
      tpu.enqueue_dma source(%arg6 : memref<64x256xf32, #tpu.memory_space<vmem>>) target(%dma_start3A_10 : memref<64x256xf32, #tpu.memory_space<hbm>>) target_semaphore(%run_scoped3A : memref<!tpu.dma_semaphore, #tpu.memory_space<semaphore_mem>>)
      %dma_wait3A_11 = arith.constant 0 : i32
      %dma_wait3A_12 = tpu.memref_slice %arg4[%mul3A_2, %dma_wait3A_11] : memref<2048x256xf32, #tpu.memory_space<hbm>> -> memref<64x256xf32, #tpu.memory_space<hbm>>
      %dma_wait3A_13 = arith.constant 0 : i32
      %dma_wait3A_14 = tpu.memref_slice %arg4[%mul3A_2, %dma_wait3A_13] : memref<2048x256xf32, #tpu.memory_space<hbm>> -> memref<64x256xf32, #tpu.memory_space<hbm>>
      tpu.wait_dma2 semaphore(%run_scoped3A : memref<!tpu.dma_semaphore, #tpu.memory_space<semaphore_mem>>) src(%arg6 : memref<64x256xf32, #tpu.memory_space<vmem>>) dst(%dma_wait3A_14 : memref<64x256xf32, #tpu.memory_space<hbm>>)
      tpu.yield
    }) : () -> ()
    return
  }
}

module attributes {stable_mosaic.version = 14 : i64} {
  func.func @_fold_body(%arg0: memref<16x128x256xf32, #tpu.memory_space<vmem>>, %arg1: memref<16x1x128xf32, #tpu.memory_space<vmem>>, %arg2: memref<64x256xf32, #tpu.memory_space<vmem>>, %arg3: memref<64xf32, #tpu.memory_space<vmem>>, %arg4: memref<64x256xf32, #tpu.memory_space<vmem>>, %arg5: memref<64xf32, #tpu.memory_space<vmem>>, %arg6: memref<16x256x128xf32, #tpu.memory_space<vmem>>, %arg7: memref<16x128x1xf32, #tpu.memory_space<vmem>>) attributes {dimension_semantics = [], scalar_prefetch = 0 : i64, scratch_operands = 0 : i64, tpu.core_type = #tpu.core_type<tc>} {
    %get3A = arith.constant 0 : index
    %get3A_0 = arith.constant 0 : index
    %get3A_1 = arith.constant 0 : index
    %get3A_2 = vector.load %arg0[%get3A, %get3A_0, %get3A_1] : memref<16x128x256xf32, #tpu.memory_space<vmem>>, vector<1x128x256xf32>
    %get3A_3 = vector.shape_cast %get3A_2 : vector<1x128x256xf32> to vector<128x256xf32>
    %get3A_4 = arith.constant 0 : index
    %get3A_5 = arith.constant 0 : index
    %get3A_6 = arith.constant 0 : index
    %get3A_7 = vector.load %arg1[%get3A_4, %get3A_5, %get3A_6] : memref<16x1x128xf32, #tpu.memory_space<vmem>>, vector<1x1x128xf32>
    %get3A_8 = vector.shape_cast %get3A_7 : vector<1x1x128xf32> to vector<1x128xf32>
    %get3A_9 = arith.constant 0 : index
    %get3A_10 = arith.constant 0 : index
    %get3A_11 = vector.load %arg4[%get3A_9, %get3A_10] : memref<64x256xf32, #tpu.memory_space<vmem>>, vector<64x256xf32>
    %dot_general3A = arith.constant dense<0.000000e+00> : vector<128x64xf32>
    %dot_general3A_12 = tpu.matmul %get3A_3, %get3A_11, %dot_general3A {dimension_numbers = #tpu.dot_dimension_numbers<[1], [1], [0], [0], [0, 0, 1, 0], [], []>, precision = #tpu.contract_precision<fp32>, transpose_lhs_hint = false} : vector<128x256xf32>, vector<64x256xf32>, vector<128x64xf32> -> vector<128x64xf32>
    %get3A_13 = arith.constant 0 : index
    %get3A_14 = vector.load %arg5[%get3A_13] : memref<64xf32, #tpu.memory_space<vmem>>, vector<64xf32>
    %broadcast_in_dim3A = vector.shape_cast %get3A_14 : vector<64xf32> to vector<1x64xf32>
    %add3A = vector.broadcast %broadcast_in_dim3A : vector<1x64xf32> to vector<128x64xf32>
    %add3A_15 = arith.addf %dot_general3A_12, %add3A : vector<128x64xf32>
    %get3A_16 = arith.constant 0 : index
    %get3A_17 = arith.constant 0 : index
    %get3A_18 = vector.load %arg2[%get3A_16, %get3A_17] : memref<64x256xf32, #tpu.memory_space<vmem>>, vector<64x256xf32>
    %dot_general3A_19 = arith.constant dense<0.000000e+00> : vector<256x128xf32>
    %dot_general3A_20 = tpu.matmul %get3A_18, %add3A_15, %dot_general3A_19 {dimension_numbers = #tpu.dot_dimension_numbers<[0], [1], [1], [0], [0, 1, 1, 0], [], []>, precision = #tpu.contract_precision<fp32>, transpose_lhs_hint = false} : vector<64x256xf32>, vector<128x64xf32>, vector<256x128xf32> -> vector<256x128xf32>
    %mul3A = arith.constant 1.250000e-01 : f32
    %mul3A_21 = vector.broadcast %mul3A : f32 to vector<1x128xf32>
    %mul3A_22 = arith.mulf %get3A_8, %mul3A_21 : vector<1x128xf32>
    %mul3A_23 = vector.broadcast %mul3A_22 : vector<1x128xf32> to vector<256x128xf32>
    %mul3A_24 = arith.mulf %dot_general3A_20, %mul3A_23 : vector<256x128xf32>
    %swap3A = arith.constant 0 : index
    %swap3A_25 = arith.constant 0 : index
    %swap3A_26 = arith.constant 0 : index
    %swap3A_27 = vector.load %arg6[%swap3A, %swap3A_25, %swap3A_26] : memref<16x256x128xf32, #tpu.memory_space<vmem>>, vector<1x256x128xf32>
    %swap3A_28 = vector.shape_cast %swap3A_27 : vector<1x256x128xf32> to vector<256x128xf32>
    %swap3A_29 = vector.shape_cast %mul3A_24 : vector<256x128xf32> to vector<1x256x128xf32>
    tpu.vector_store %arg6[%swap3A, %swap3A_25, %swap3A_26], %swap3A_29 {strides = array<i32>} : memref<16x256x128xf32, #tpu.memory_space<vmem>>, vector<1x256x128xf32>,
    %get3A_30 = arith.constant 0 : index
    %get3A_31 = vector.load %arg3[%get3A_30] : memref<64xf32, #tpu.memory_space<vmem>>, vector<64xf32>
    %dot_general3A_32 = arith.constant dense<0.000000e+00> : vector<128xf32>
    %dot_general3A_33 = tpu.matmul %get3A_31, %add3A_15, %dot_general3A_32 {dimension_numbers = #tpu.dot_dimension_numbers<[0], [1], [], [0], [1, 0], [], []>, precision = #tpu.contract_precision<fp32>, transpose_lhs_hint = false} : vector<64xf32>, vector<128x64xf32>, vector<128xf32> -> vector<128xf32>
    %broadcast_in_dim3A_34 = vector.shape_cast %dot_general3A_33 : vector<128xf32> to vector<1x128xf32>
    %mul3A_35 = arith.constant 1.250000e-01 : f32
    %mul3A_36 = vector.broadcast %mul3A_35 : f32 to vector<1x128xf32>
    %mul3A_37 = arith.mulf %get3A_8, %mul3A_36 : vector<1x128xf32>
    %mul3A_38 = arith.mulf %broadcast_in_dim3A_34, %mul3A_37 : vector<1x128xf32>
    %transpose3A = tpu.transpose %mul3A_38, [1, 0] : vector<1x128xf32> -> vector<128x1xf32>
    %swap3A_39 = arith.constant 0 : index
    %swap3A_40 = arith.constant 0 : index
    %swap3A_41 = arith.constant 0 : index
    %swap3A_42 = vector.load %arg7[%swap3A_39, %swap3A_40, %swap3A_41] : memref<16x128x1xf32, #tpu.memory_space<vmem>>, vector<1x128x1xf32>
    %swap3A_43 = vector.shape_cast %swap3A_42 : vector<1x128x1xf32> to vector<128x1xf32>
    %swap3A_44 = vector.shape_cast %transpose3A : vector<128x1xf32> to vector<1x128x1xf32>
    tpu.vector_store %arg7[%swap3A_39, %swap3A_40, %swap3A_41], %swap3A_44 {strides = array<i32>} : memref<16x128x1xf32, #tpu.memory_space<vmem>>, vector<1x128x1xf32>,
    %get3A_45 = arith.constant 1 : index
    %get3A_46 = arith.constant 0 : index
    %get3A_47 = arith.constant 0 : index
    %get3A_48 = vector.load %arg0[%get3A_45, %get3A_46, %get3A_47] : memref<16x128x256xf32, #tpu.memory_space<vmem>>, vector<1x128x256xf32>
    %get3A_49 = vector.shape_cast %get3A_48 : vector<1x128x256xf32> to vector<128x256xf32>
    %get3A_50 = arith.constant 1 : index
    %get3A_51 = arith.constant 0 : index
    %get3A_52 = arith.constant 0 : index
    %get3A_53 = vector.load %arg1[%get3A_50, %get3A_51, %get3A_52] : memref<16x1x128xf32, #tpu.memory_space<vmem>>, vector<1x1x128xf32>
    %get3A_54 = vector.shape_cast %get3A_53 : vector<1x1x128xf32> to vector<1x128xf32>
    %get3A_55 = arith.constant 0 : index
    %get3A_56 = arith.constant 0 : index
    %get3A_57 = vector.load %arg4[%get3A_55, %get3A_56] : memref<64x256xf32, #tpu.memory_space<vmem>>, vector<64x256xf32>
    %dot_general3A_58 = arith.constant dense<0.000000e+00> : vector<128x64xf32>
    %dot_general3A_59 = tpu.matmul %get3A_49, %get3A_57, %dot_general3A_58 {dimension_numbers = #tpu.dot_dimension_numbers<[1], [1], [0], [0], [0, 0, 1, 0], [], []>, precision = #tpu.contract_precision<fp32>, transpose_lhs_hint = false} : vector<128x256xf32>, vector<64x256xf32>, vector<128x64xf32> -> vector<128x64xf32>
    %get3A_60 = arith.constant 0 : index
    %get3A_61 = vector.load %arg5[%get3A_60] : memref<64xf32, #tpu.memory_space<vmem>>, vector<64xf32>
    %broadcast_in_dim3A_62 = vector.shape_cast %get3A_61 : vector<64xf32> to vector<1x64xf32>
    %add3A_63 = vector.broadcast %broadcast_in_dim3A_62 : vector<1x64xf32> to vector<128x64xf32>
    %add3A_64 = arith.addf %dot_general3A_59, %add3A_63 : vector<128x64xf32>
    %get3A_65 = arith.constant 0 : index
    %get3A_66 = arith.constant 0 : index
    %get3A_67 = vector.load %arg2[%get3A_65, %get3A_66] : memref<64x256xf32, #tpu.memory_space<vmem>>, vector<64x256xf32>
    %dot_general3A_68 = arith.constant dense<0.000000e+00> : vector<256x128xf32>
    %dot_general3A_69 = tpu.matmul %get3A_67, %add3A_64, %dot_general3A_68 {dimension_numbers = #tpu.dot_dimension_numbers<[0], [1], [1], [0], [0, 1, 1, 0], [], []>, precision = #tpu.contract_precision<fp32>, transpose_lhs_hint = false} : vector<64x256xf32>, vector<128x64xf32>, vector<256x128xf32> -> vector<256x128xf32>
    %mul3A_70 = arith.constant 1.250000e-01 : f32
    %mul3A_71 = vector.broadcast %mul3A_70 : f32 to vector<1x128xf32>
    %mul3A_72 = arith.mulf %get3A_54, %mul3A_71 : vector<1x128xf32>
    %mul3A_73 = vector.broadcast %mul3A_72 : vector<1x128xf32> to vector<256x128xf32>
    %mul3A_74 = arith.mulf %dot_general3A_69, %mul3A_73 : vector<256x128xf32>
    %swap3A_75 = arith.constant 1 : index
    %swap3A_76 = arith.constant 0 : index
    %swap3A_77 = arith.constant 0 : index
    %swap3A_78 = vector.load %arg6[%swap3A_75, %swap3A_76, %swap3A_77] : memref<16x256x128xf32, #tpu.memory_space<vmem>>, vector<1x256x128xf32>
    %swap3A_79 = vector.shape_cast %swap3A_78 : vector<1x256x128xf32> to vector<256x128xf32>
    %swap3A_80 = vector.shape_cast %mul3A_74 : vector<256x128xf32> to vector<1x256x128xf32>
    tpu.vector_store %arg6[%swap3A_75, %swap3A_76, %swap3A_77], %swap3A_80 {strides = array<i32>} : memref<16x256x128xf32, #tpu.memory_space<vmem>>, vector<1x256x128xf32>,
    %get3A_81 = arith.constant 0 : index
    %get3A_82 = vector.load %arg3[%get3A_81] : memref<64xf32, #tpu.memory_space<vmem>>, vector<64xf32>
    %dot_general3A_83 = arith.constant dense<0.000000e+00> : vector<128xf32>
    %dot_general3A_84 = tpu.matmul %get3A_82, %add3A_64, %dot_general3A_83 {dimension_numbers = #tpu.dot_dimension_numbers<[0], [1], [], [0], [1, 0], [], []>, precision = #tpu.contract_precision<fp32>, transpose_lhs_hint = false} : vector<64xf32>, vector<128x64xf32>, vector<128xf32> -> vector<128xf32>
    %broadcast_in_dim3A_85 = vector.shape_cast %dot_general3A_84 : vector<128xf32> to vector<1x128xf32>
    %mul3A_86 = arith.constant 1.250000e-01 : f32
    %mul3A_87 = vector.broadcast %mul3A_86 : f32 to vector<1x128xf32>
    %mul3A_88 = arith.mulf %get3A_54, %mul3A_87 : vector<1x128xf32>
    %mul3A_89 = arith.mulf %broadcast_in_dim3A_85, %mul3A_88 : vector<1x128xf32>
    %transpose3A_90 = tpu.transpose %mul3A_89, [1, 0] : vector<1x128xf32> -> vector<128x1xf32>
    %swap3A_91 = arith.constant 1 : index
    %swap3A_92 = arith.constant 0 : index
    %swap3A_93 = arith.constant 0 : index
    %swap3A_94 = vector.load %arg7[%swap3A_91, %swap3A_92, %swap3A_93] : memref<16x128x1xf32, #tpu.memory_space<vmem>>, vector<1x128x1xf32>
    %swap3A_95 = vector.shape_cast %swap3A_94 : vector<1x128x1xf32> to vector<128x1xf32>
    %swap3A_96 = vector.shape_cast %transpose3A_90 : vector<128x1xf32> to vector<1x128x1xf32>
    tpu.vector_store %arg7[%swap3A_91, %swap3A_92, %swap3A_93], %swap3A_96 {strides = array<i32>} : memref<16x128x1xf32, #tpu.memory_space<vmem>>, vector<1x128x1xf32>,
    %get3A_97 = arith.constant 2 : index
    %get3A_98 = arith.constant 0 : index
    %get3A_99 = arith.constant 0 : index
    %get3A_100 = vector.load %arg0[%get3A_97, %get3A_98, %get3A_99] : memref<16x128x256xf32, #tpu.memory_space<vmem>>, vector<1x128x256xf32>
    %get3A_101 = vector.shape_cast %get3A_100 : vector<1x128x256xf32> to vector<128x256xf32>
    %get3A_102 = arith.constant 2 : index
    %get3A_103 = arith.constant 0 : index
    %get3A_104 = arith.constant 0 : index
    %get3A_105 = vector.load %arg1[%get3A_102, %get3A_103, %get3A_104] : memref<16x1x128xf32, #tpu.memory_space<vmem>>, vector<1x1x128xf32>
    %get3A_106 = vector.shape_cast %get3A_105 : vector<1x1x128xf32> to vector<1x128xf32>
    %get3A_107 = arith.constant 0 : index
    %get3A_108 = arith.constant 0 : index
    %get3A_109 = vector.load %arg4[%get3A_107, %get3A_108] : memref<64x256xf32, #tpu.memory_space<vmem>>, vector<64x256xf32>
    %dot_general3A_110 = arith.constant dense<0.000000e+00> : vector<128x64xf32>
    %dot_general3A_111 = tpu.matmul %get3A_101, %get3A_109, %dot_general3A_110 {dimension_numbers = #tpu.dot_dimension_numbers<[1], [1], [0], [0], [0, 0, 1, 0], [], []>, precision = #tpu.contract_precision<fp32>, transpose_lhs_hint = false} : vector<128x256xf32>, vector<64x256xf32>, vector<128x64xf32> -> vector<128x64xf32>
    %get3A_112 = arith.constant 0 : index
    %get3A_113 = vector.load %arg5[%get3A_112] : memref<64xf32, #tpu.memory_space<vmem>>, vector<64xf32>
    %broadcast_in_dim3A_114 = vector.shape_cast %get3A_113 : vector<64xf32> to vector<1x64xf32>
    %add3A_115 = vector.broadcast %broadcast_in_dim3A_114 : vector<1x64xf32> to vector<128x64xf32>
    %add3A_116 = arith.addf %dot_general3A_111, %add3A_115 : vector<128x64xf32>
    %get3A_117 = arith.constant 0 : index
    %get3A_118 = arith.constant 0 : index
    %get3A_119 = vector.load %arg2[%get3A_117, %get3A_118] : memref<64x256xf32, #tpu.memory_space<vmem>>, vector<64x256xf32>
    %dot_general3A_120 = arith.constant dense<0.000000e+00> : vector<256x128xf32>
    %dot_general3A_121 = tpu.matmul %get3A_119, %add3A_116, %dot_general3A_120 {dimension_numbers = #tpu.dot_dimension_numbers<[0], [1], [1], [0], [0, 1, 1, 0], [], []>, precision = #tpu.contract_precision<fp32>, transpose_lhs_hint = false} : vector<64x256xf32>, vector<128x64xf32>, vector<256x128xf32> -> vector<256x128xf32>
    %mul3A_122 = arith.constant 1.250000e-01 : f32
    %mul3A_123 = vector.broadcast %mul3A_122 : f32 to vector<1x128xf32>
    %mul3A_124 = arith.mulf %get3A_106, %mul3A_123 : vector<1x128xf32>
    %mul3A_125 = vector.broadcast %mul3A_124 : vector<1x128xf32> to vector<256x128xf32>
    %mul3A_126 = arith.mulf %dot_general3A_121, %mul3A_125 : vector<256x128xf32>
    %swap3A_127 = arith.constant 2 : index
    %swap3A_128 = arith.constant 0 : index
    %swap3A_129 = arith.constant 0 : index
    %swap3A_130 = vector.load %arg6[%swap3A_127, %swap3A_128, %swap3A_129] : memref<16x256x128xf32, #tpu.memory_space<vmem>>, vector<1x256x128xf32>
    %swap3A_131 = vector.shape_cast %swap3A_130 : vector<1x256x128xf32> to vector<256x128xf32>
    %swap3A_132 = vector.shape_cast %mul3A_126 : vector<256x128xf32> to vector<1x256x128xf32>
    tpu.vector_store %arg6[%swap3A_127, %swap3A_128, %swap3A_129], %swap3A_132 {strides = array<i32>} : memref<16x256x128xf32, #tpu.memory_space<vmem>>, vector<1x256x128xf32>,
    %get3A_133 = arith.constant 0 : index
    %get3A_134 = vector.load %arg3[%get3A_133] : memref<64xf32, #tpu.memory_space<vmem>>, vector<64xf32>
    %dot_general3A_135 = arith.constant dense<0.000000e+00> : vector<128xf32>
    %dot_general3A_136 = tpu.matmul %get3A_134, %add3A_116, %dot_general3A_135 {dimension_numbers = #tpu.dot_dimension_numbers<[0], [1], [], [0], [1, 0], [], []>, precision = #tpu.contract_precision<fp32>, transpose_lhs_hint = false} : vector<64xf32>, vector<128x64xf32>, vector<128xf32> -> vector<128xf32>
    %broadcast_in_dim3A_137 = vector.shape_cast %dot_general3A_136 : vector<128xf32> to vector<1x128xf32>
    %mul3A_138 = arith.constant 1.250000e-01 : f32
    %mul3A_139 = vector.broadcast %mul3A_138 : f32 to vector<1x128xf32>
    %mul3A_140 = arith.mulf %get3A_106, %mul3A_139 : vector<1x128xf32>
    %mul3A_141 = arith.mulf %broadcast_in_dim3A_137, %mul3A_140 : vector<1x128xf32>
    %transpose3A_142 = tpu.transpose %mul3A_141, [1, 0] : vector<1x128xf32> -> vector<128x1xf32>
    %swap3A_143 = arith.constant 2 : index
    %swap3A_144 = arith.constant 0 : index
    %swap3A_145 = arith.constant 0 : index
    %swap3A_146 = vector.load %arg7[%swap3A_143, %swap3A_144, %swap3A_145] : memref<16x128x1xf32, #tpu.memory_space<vmem>>, vector<1x128x1xf32>
    %swap3A_147 = vector.shape_cast %swap3A_146 : vector<1x128x1xf32> to vector<128x1xf32>
    %swap3A_148 = vector.shape_cast %transpose3A_142 : vector<128x1xf32> to vector<1x128x1xf32>
    tpu.vector_store %arg7[%swap3A_143, %swap3A_144, %swap3A_145], %swap3A_148 {strides = array<i32>} : memref<16x128x1xf32, #tpu.memory_space<vmem>>, vector<1x128x1xf32>,
    %get3A_149 = arith.constant 3 : index
    %get3A_150 = arith.constant 0 : index
    %get3A_151 = arith.constant 0 : index
    %get3A_152 = vector.load %arg0[%get3A_149, %get3A_150, %get3A_151] : memref<16x128x256xf32, #tpu.memory_space<vmem>>, vector<1x128x256xf32>
    %get3A_153 = vector.shape_cast %get3A_152 : vector<1x128x256xf32> to vector<128x256xf32>
    %get3A_154 = arith.constant 3 : index
    %get3A_155 = arith.constant 0 : index
    %get3A_156 = arith.constant 0 : index
    %get3A_157 = vector.load %arg1[%get3A_154, %get3A_155, %get3A_156] : memref<16x1x128xf32, #tpu.memory_space<vmem>>, vector<1x1x128xf32>
    %get3A_158 = vector.shape_cast %get3A_157 : vector<1x1x128xf32> to vector<1x128xf32>
    %get3A_159 = arith.constant 0 : index
    %get3A_160 = arith.constant 0 : index
    %get3A_161 = vector.load %arg4[%get3A_159, %get3A_160] : memref<64x256xf32, #tpu.memory_space<vmem>>, vector<64x256xf32>
    %dot_general3A_162 = arith.constant dense<0.000000e+00> : vector<128x64xf32>
    %dot_general3A_163 = tpu.matmul %get3A_153, %get3A_161, %dot_general3A_162 {dimension_numbers = #tpu.dot_dimension_numbers<[1], [1], [0], [0], [0, 0, 1, 0], [], []>, precision = #tpu.contract_precision<fp32>, transpose_lhs_hint = false} : vector<128x256xf32>, vector<64x256xf32>, vector<128x64xf32> -> vector<128x64xf32>
    %get3A_164 = arith.constant 0 : index
    %get3A_165 = vector.load %arg5[%get3A_164] : memref<64xf32, #tpu.memory_space<vmem>>, vector<64xf32>
    %broadcast_in_dim3A_166 = vector.shape_cast %get3A_165 : vector<64xf32> to vector<1x64xf32>
    %add3A_167 = vector.broadcast %broadcast_in_dim3A_166 : vector<1x64xf32> to vector<128x64xf32>
    %add3A_168 = arith.addf %dot_general3A_163, %add3A_167 : vector<128x64xf32>
    %get3A_169 = arith.constant 0 : index
    %get3A_170 = arith.constant 0 : index
    %get3A_171 = vector.load %arg2[%get3A_169, %get3A_170] : memref<64x256xf32, #tpu.memory_space<vmem>>, vector<64x256xf32>
    %dot_general3A_172 = arith.constant dense<0.000000e+00> : vector<256x128xf32>
    %dot_general3A_173 = tpu.matmul %get3A_171, %add3A_168, %dot_general3A_172 {dimension_numbers = #tpu.dot_dimension_numbers<[0], [1], [1], [0], [0, 1, 1, 0], [], []>, precision = #tpu.contract_precision<fp32>, transpose_lhs_hint = false} : vector<64x256xf32>, vector<128x64xf32>, vector<256x128xf32> -> vector<256x128xf32>
    %mul3A_174 = arith.constant 1.250000e-01 : f32
    %mul3A_175 = vector.broadcast %mul3A_174 : f32 to vector<1x128xf32>
    %mul3A_176 = arith.mulf %get3A_158, %mul3A_175 : vector<1x128xf32>
    %mul3A_177 = vector.broadcast %mul3A_176 : vector<1x128xf32> to vector<256x128xf32>
    %mul3A_178 = arith.mulf %dot_general3A_173, %mul3A_177 : vector<256x128xf32>
    %swap3A_179 = arith.constant 3 : index
    %swap3A_180 = arith.constant 0 : index
    %swap3A_181 = arith.constant 0 : index
    %swap3A_182 = vector.load %arg6[%swap3A_179, %swap3A_180, %swap3A_181] : memref<16x256x128xf32, #tpu.memory_space<vmem>>, vector<1x256x128xf32>
    %swap3A_183 = vector.shape_cast %swap3A_182 : vector<1x256x128xf32> to vector<256x128xf32>
    %swap3A_184 = vector.shape_cast %mul3A_178 : vector<256x128xf32> to vector<1x256x128xf32>
    tpu.vector_store %arg6[%swap3A_179, %swap3A_180, %swap3A_181], %swap3A_184 {strides = array<i32>} : memref<16x256x128xf32, #tpu.memory_space<vmem>>, vector<1x256x128xf32>,
    %get3A_185 = arith.constant 0 : index
    %get3A_186 = vector.load %arg3[%get3A_185] : memref<64xf32, #tpu.memory_space<vmem>>, vector<64xf32>
    %dot_general3A_187 = arith.constant dense<0.000000e+00> : vector<128xf32>
    %dot_general3A_188 = tpu.matmul %get3A_186, %add3A_168, %dot_general3A_187 {dimension_numbers = #tpu.dot_dimension_numbers<[0], [1], [], [0], [1, 0], [], []>, precision = #tpu.contract_precision<fp32>, transpose_lhs_hint = false} : vector<64xf32>, vector<128x64xf32>, vector<128xf32> -> vector<128xf32>
    %broadcast_in_dim3A_189 = vector.shape_cast %dot_general3A_188 : vector<128xf32> to vector<1x128xf32>
    %mul3A_190 = arith.constant 1.250000e-01 : f32
    %mul3A_191 = vector.broadcast %mul3A_190 : f32 to vector<1x128xf32>
    %mul3A_192 = arith.mulf %get3A_158, %mul3A_191 : vector<1x128xf32>
    %mul3A_193 = arith.mulf %broadcast_in_dim3A_189, %mul3A_192 : vector<1x128xf32>
    %transpose3A_194 = tpu.transpose %mul3A_193, [1, 0] : vector<1x128xf32> -> vector<128x1xf32>
    %swap3A_195 = arith.constant 3 : index
    %swap3A_196 = arith.constant 0 : index
    %swap3A_197 = arith.constant 0 : index
    %swap3A_198 = vector.load %arg7[%swap3A_195, %swap3A_196, %swap3A_197] : memref<16x128x1xf32, #tpu.memory_space<vmem>>, vector<1x128x1xf32>
    %swap3A_199 = vector.shape_cast %swap3A_198 : vector<1x128x1xf32> to vector<128x1xf32>
    %swap3A_200 = vector.shape_cast %transpose3A_194 : vector<128x1xf32> to vector<1x128x1xf32>
    tpu.vector_store %arg7[%swap3A_195, %swap3A_196, %swap3A_197], %swap3A_200 {strides = array<i32>} : memref<16x128x1xf32, #tpu.memory_space<vmem>>, vector<1x128x1xf32>,
    %get3A_201 = arith.constant 4 : index
    %get3A_202 = arith.constant 0 : index
    %get3A_203 = arith.constant 0 : index
    %get3A_204 = vector.load %arg0[%get3A_201, %get3A_202, %get3A_203] : memref<16x128x256xf32, #tpu.memory_space<vmem>>, vector<1x128x256xf32>
    %get3A_205 = vector.shape_cast %get3A_204 : vector<1x128x256xf32> to vector<128x256xf32>
    %get3A_206 = arith.constant 4 : index
    %get3A_207 = arith.constant 0 : index
    %get3A_208 = arith.constant 0 : index
    %get3A_209 = vector.load %arg1[%get3A_206, %get3A_207, %get3A_208] : memref<16x1x128xf32, #tpu.memory_space<vmem>>, vector<1x1x128xf32>
    %get3A_210 = vector.shape_cast %get3A_209 : vector<1x1x128xf32> to vector<1x128xf32>
    %get3A_211 = arith.constant 0 : index
    %get3A_212 = arith.constant 0 : index
    %get3A_213 = vector.load %arg4[%get3A_211, %get3A_212] : memref<64x256xf32, #tpu.memory_space<vmem>>, vector<64x256xf32>
    %dot_general3A_214 = arith.constant dense<0.000000e+00> : vector<128x64xf32>
    %dot_general3A_215 = tpu.matmul %get3A_205, %get3A_213, %dot_general3A_214 {dimension_numbers = #tpu.dot_dimension_numbers<[1], [1], [0], [0], [0, 0, 1, 0], [], []>, precision = #tpu.contract_precision<fp32>, transpose_lhs_hint = false} : vector<128x256xf32>, vector<64x256xf32>, vector<128x64xf32> -> vector<128x64xf32>
    %get3A_216 = arith.constant 0 : index
    %get3A_217 = vector.load %arg5[%get3A_216] : memref<64xf32, #tpu.memory_space<vmem>>, vector<64xf32>
    %broadcast_in_dim3A_218 = vector.shape_cast %get3A_217 : vector<64xf32> to vector<1x64xf32>
    %add3A_219 = vector.broadcast %broadcast_in_dim3A_218 : vector<1x64xf32> to vector<128x64xf32>
    %add3A_220 = arith.addf %dot_general3A_215, %add3A_219 : vector<128x64xf32>
    %get3A_221 = arith.constant 0 : index
    %get3A_222 = arith.constant 0 : index
    %get3A_223 = vector.load %arg2[%get3A_221, %get3A_222] : memref<64x256xf32, #tpu.memory_space<vmem>>, vector<64x256xf32>
    %dot_general3A_224 = arith.constant dense<0.000000e+00> : vector<256x128xf32>
    %dot_general3A_225 = tpu.matmul %get3A_223, %add3A_220, %dot_general3A_224 {dimension_numbers = #tpu.dot_dimension_numbers<[0], [1], [1], [0], [0, 1, 1, 0], [], []>, precision = #tpu.contract_precision<fp32>, transpose_lhs_hint = false} : vector<64x256xf32>, vector<128x64xf32>, vector<256x128xf32> -> vector<256x128xf32>
    %mul3A_226 = arith.constant 1.250000e-01 : f32
    %mul3A_227 = vector.broadcast %mul3A_226 : f32 to vector<1x128xf32>
    %mul3A_228 = arith.mulf %get3A_210, %mul3A_227 : vector<1x128xf32>
    %mul3A_229 = vector.broadcast %mul3A_228 : vector<1x128xf32> to vector<256x128xf32>
    %mul3A_230 = arith.mulf %dot_general3A_225, %mul3A_229 : vector<256x128xf32>
    %swap3A_231 = arith.constant 4 : index
    %swap3A_232 = arith.constant 0 : index
    %swap3A_233 = arith.constant 0 : index
    %swap3A_234 = vector.load %arg6[%swap3A_231, %swap3A_232, %swap3A_233] : memref<16x256x128xf32, #tpu.memory_space<vmem>>, vector<1x256x128xf32>
    %swap3A_235 = vector.shape_cast %swap3A_234 : vector<1x256x128xf32> to vector<256x128xf32>
    %swap3A_236 = vector.shape_cast %mul3A_230 : vector<256x128xf32> to vector<1x256x128xf32>
    tpu.vector_store %arg6[%swap3A_231, %swap3A_232, %swap3A_233], %swap3A_236 {strides = array<i32>} : memref<16x256x128xf32, #tpu.memory_space<vmem>>, vector<1x256x128xf32>,
    %get3A_237 = arith.constant 0 : index
    %get3A_238 = vector.load %arg3[%get3A_237] : memref<64xf32, #tpu.memory_space<vmem>>, vector<64xf32>
    %dot_general3A_239 = arith.constant dense<0.000000e+00> : vector<128xf32>
    %dot_general3A_240 = tpu.matmul %get3A_238, %add3A_220, %dot_general3A_239 {dimension_numbers = #tpu.dot_dimension_numbers<[0], [1], [], [0], [1, 0], [], []>, precision = #tpu.contract_precision<fp32>, transpose_lhs_hint = false} : vector<64xf32>, vector<128x64xf32>, vector<128xf32> -> vector<128xf32>
    %broadcast_in_dim3A_241 = vector.shape_cast %dot_general3A_240 : vector<128xf32> to vector<1x128xf32>
    %mul3A_242 = arith.constant 1.250000e-01 : f32
    %mul3A_243 = vector.broadcast %mul3A_242 : f32 to vector<1x128xf32>
    %mul3A_244 = arith.mulf %get3A_210, %mul3A_243 : vector<1x128xf32>
    %mul3A_245 = arith.mulf %broadcast_in_dim3A_241, %mul3A_244 : vector<1x128xf32>
    %transpose3A_246 = tpu.transpose %mul3A_245, [1, 0] : vector<1x128xf32> -> vector<128x1xf32>
    %swap3A_247 = arith.constant 4 : index
    %swap3A_248 = arith.constant 0 : index
    %swap3A_249 = arith.constant 0 : index
    %swap3A_250 = vector.load %arg7[%swap3A_247, %swap3A_248, %swap3A_249] : memref<16x128x1xf32, #tpu.memory_space<vmem>>, vector<1x128x1xf32>
    %swap3A_251 = vector.shape_cast %swap3A_250 : vector<1x128x1xf32> to vector<128x1xf32>
    %swap3A_252 = vector.shape_cast %transpose3A_246 : vector<128x1xf32> to vector<1x128x1xf32>
    tpu.vector_store %arg7[%swap3A_247, %swap3A_248, %swap3A_249], %swap3A_252 {strides = array<i32>} : memref<16x128x1xf32, #tpu.memory_space<vmem>>, vector<1x128x1xf32>,
    %get3A_253 = arith.constant 5 : index
    %get3A_254 = arith.constant 0 : index
    %get3A_255 = arith.constant 0 : index
    %get3A_256 = vector.load %arg0[%get3A_253, %get3A_254, %get3A_255] : memref<16x128x256xf32, #tpu.memory_space<vmem>>, vector<1x128x256xf32>
    %get3A_257 = vector.shape_cast %get3A_256 : vector<1x128x256xf32> to vector<128x256xf32>
    %get3A_258 = arith.constant 5 : index
    %get3A_259 = arith.constant 0 : index
    %get3A_260 = arith.constant 0 : index
    %get3A_261 = vector.load %arg1[%get3A_258, %get3A_259, %get3A_260] : memref<16x1x128xf32, #tpu.memory_space<vmem>>, vector<1x1x128xf32>
    %get3A_262 = vector.shape_cast %get3A_261 : vector<1x1x128xf32> to vector<1x128xf32>
    %get3A_263 = arith.constant 0 : index
    %get3A_264 = arith.constant 0 : index
    %get3A_265 = vector.load %arg4[%get3A_263, %get3A_264] : memref<64x256xf32, #tpu.memory_space<vmem>>, vector<64x256xf32>
    %dot_general3A_266 = arith.constant dense<0.000000e+00> : vector<128x64xf32>
    %dot_general3A_267 = tpu.matmul %get3A_257, %get3A_265, %dot_general3A_266 {dimension_numbers = #tpu.dot_dimension_numbers<[1], [1], [0], [0], [0, 0, 1, 0], [], []>, precision = #tpu.contract_precision<fp32>, transpose_lhs_hint = false} : vector<128x256xf32>, vector<64x256xf32>, vector<128x64xf32> -> vector<128x64xf32>
    %get3A_268 = arith.constant 0 : index
    %get3A_269 = vector.load %arg5[%get3A_268] : memref<64xf32, #tpu.memory_space<vmem>>, vector<64xf32>
    %broadcast_in_dim3A_270 = vector.shape_cast %get3A_269 : vector<64xf32> to vector<1x64xf32>
    %add3A_271 = vector.broadcast %broadcast_in_dim3A_270 : vector<1x64xf32> to vector<128x64xf32>
    %add3A_272 = arith.addf %dot_general3A_267, %add3A_271 : vector<128x64xf32>
    %get3A_273 = arith.constant 0 : index
    %get3A_274 = arith.constant 0 : index
    %get3A_275 = vector.load %arg2[%get3A_273, %get3A_274] : memref<64x256xf32, #tpu.memory_space<vmem>>, vector<64x256xf32>
    %dot_general3A_276 = arith.constant dense<0.000000e+00> : vector<256x128xf32>
    %dot_general3A_277 = tpu.matmul %get3A_275, %add3A_272, %dot_general3A_276 {dimension_numbers = #tpu.dot_dimension_numbers<[0], [1], [1], [0], [0, 1, 1, 0], [], []>, precision = #tpu.contract_precision<fp32>, transpose_lhs_hint = false} : vector<64x256xf32>, vector<128x64xf32>, vector<256x128xf32> -> vector<256x128xf32>
    %mul3A_278 = arith.constant 1.250000e-01 : f32
    %mul3A_279 = vector.broadcast %mul3A_278 : f32 to vector<1x128xf32>
    %mul3A_280 = arith.mulf %get3A_262, %mul3A_279 : vector<1x128xf32>
    %mul3A_281 = vector.broadcast %mul3A_280 : vector<1x128xf32> to vector<256x128xf32>
    %mul3A_282 = arith.mulf %dot_general3A_277, %mul3A_281 : vector<256x128xf32>
    %swap3A_283 = arith.constant 5 : index
    %swap3A_284 = arith.constant 0 : index
    %swap3A_285 = arith.constant 0 : index
    %swap3A_286 = vector.load %arg6[%swap3A_283, %swap3A_284, %swap3A_285] : memref<16x256x128xf32, #tpu.memory_space<vmem>>, vector<1x256x128xf32>
    %swap3A_287 = vector.shape_cast %swap3A_286 : vector<1x256x128xf32> to vector<256x128xf32>
    %swap3A_288 = vector.shape_cast %mul3A_282 : vector<256x128xf32> to vector<1x256x128xf32>
    tpu.vector_store %arg6[%swap3A_283, %swap3A_284, %swap3A_285], %swap3A_288 {strides = array<i32>} : memref<16x256x128xf32, #tpu.memory_space<vmem>>, vector<1x256x128xf32>,
    %get3A_289 = arith.constant 0 : index
    %get3A_290 = vector.load %arg3[%get3A_289] : memref<64xf32, #tpu.memory_space<vmem>>, vector<64xf32>
    %dot_general3A_291 = arith.constant dense<0.000000e+00> : vector<128xf32>
    %dot_general3A_292 = tpu.matmul %get3A_290, %add3A_272, %dot_general3A_291 {dimension_numbers = #tpu.dot_dimension_numbers<[0], [1], [], [0], [1, 0], [], []>, precision = #tpu.contract_precision<fp32>, transpose_lhs_hint = false} : vector<64xf32>, vector<128x64xf32>, vector<128xf32> -> vector<128xf32>
    %broadcast_in_dim3A_293 = vector.shape_cast %dot_general3A_292 : vector<128xf32> to vector<1x128xf32>
    %mul3A_294 = arith.constant 1.250000e-01 : f32
    %mul3A_295 = vector.broadcast %mul3A_294 : f32 to vector<1x128xf32>
    %mul3A_296 = arith.mulf %get3A_262, %mul3A_295 : vector<1x128xf32>
    %mul3A_297 = arith.mulf %broadcast_in_dim3A_293, %mul3A_296 : vector<1x128xf32>
    %transpose3A_298 = tpu.transpose %mul3A_297, [1, 0] : vector<1x128xf32> -> vector<128x1xf32>
    %swap3A_299 = arith.constant 5 : index
    %swap3A_300 = arith.constant 0 : index
    %swap3A_301 = arith.constant 0 : index
    %swap3A_302 = vector.load %arg7[%swap3A_299, %swap3A_300, %swap3A_301] : memref<16x128x1xf32, #tpu.memory_space<vmem>>, vector<1x128x1xf32>
    %swap3A_303 = vector.shape_cast %swap3A_302 : vector<1x128x1xf32> to vector<128x1xf32>
    %swap3A_304 = vector.shape_cast %transpose3A_298 : vector<128x1xf32> to vector<1x128x1xf32>
    tpu.vector_store %arg7[%swap3A_299, %swap3A_300, %swap3A_301], %swap3A_304 {strides = array<i32>} : memref<16x128x1xf32, #tpu.memory_space<vmem>>, vector<1x128x1xf32>,
    %get3A_305 = arith.constant 6 : index
    %get3A_306 = arith.constant 0 : index
    %get3A_307 = arith.constant 0 : index
    %get3A_308 = vector.load %arg0[%get3A_305, %get3A_306, %get3A_307] : memref<16x128x256xf32, #tpu.memory_space<vmem>>, vector<1x128x256xf32>
    %get3A_309 = vector.shape_cast %get3A_308 : vector<1x128x256xf32> to vector<128x256xf32>
    %get3A_310 = arith.constant 6 : index
    %get3A_311 = arith.constant 0 : index
    %get3A_312 = arith.constant 0 : index
    %get3A_313 = vector.load %arg1[%get3A_310, %get3A_311, %get3A_312] : memref<16x1x128xf32, #tpu.memory_space<vmem>>, vector<1x1x128xf32>
    %get3A_314 = vector.shape_cast %get3A_313 : vector<1x1x128xf32> to vector<1x128xf32>
    %get3A_315 = arith.constant 0 : index
    %get3A_316 = arith.constant 0 : index
    %get3A_317 = vector.load %arg4[%get3A_315, %get3A_316] : memref<64x256xf32, #tpu.memory_space<vmem>>, vector<64x256xf32>
    %dot_general3A_318 = arith.constant dense<0.000000e+00> : vector<128x64xf32>
    %dot_general3A_319 = tpu.matmul %get3A_309, %get3A_317, %dot_general3A_318 {dimension_numbers = #tpu.dot_dimension_numbers<[1], [1], [0], [0], [0, 0, 1, 0], [], []>, precision = #tpu.contract_precision<fp32>, transpose_lhs_hint = false} : vector<128x256xf32>, vector<64x256xf32>, vector<128x64xf32> -> vector<128x64xf32>
    %get3A_320 = arith.constant 0 : index
    %get3A_321 = vector.load %arg5[%get3A_320] : memref<64xf32, #tpu.memory_space<vmem>>, vector<64xf32>
    %broadcast_in_dim3A_322 = vector.shape_cast %get3A_321 : vector<64xf32> to vector<1x64xf32>
    %add3A_323 = vector.broadcast %broadcast_in_dim3A_322 : vector<1x64xf32> to vector<128x64xf32>
    %add3A_324 = arith.addf %dot_general3A_319, %add3A_323 : vector<128x64xf32>
    %get3A_325 = arith.constant 0 : index
    %get3A_326 = arith.constant 0 : index
    %get3A_327 = vector.load %arg2[%get3A_325, %get3A_326] : memref<64x256xf32, #tpu.memory_space<vmem>>, vector<64x256xf32>
    %dot_general3A_328 = arith.constant dense<0.000000e+00> : vector<256x128xf32>
    %dot_general3A_329 = tpu.matmul %get3A_327, %add3A_324, %dot_general3A_328 {dimension_numbers = #tpu.dot_dimension_numbers<[0], [1], [1], [0], [0, 1, 1, 0], [], []>, precision = #tpu.contract_precision<fp32>, transpose_lhs_hint = false} : vector<64x256xf32>, vector<128x64xf32>, vector<256x128xf32> -> vector<256x128xf32>
    %mul3A_330 = arith.constant 1.250000e-01 : f32
    %mul3A_331 = vector.broadcast %mul3A_330 : f32 to vector<1x128xf32>
    %mul3A_332 = arith.mulf %get3A_314, %mul3A_331 : vector<1x128xf32>
    %mul3A_333 = vector.broadcast %mul3A_332 : vector<1x128xf32> to vector<256x128xf32>
    %mul3A_334 = arith.mulf %dot_general3A_329, %mul3A_333 : vector<256x128xf32>
    %swap3A_335 = arith.constant 6 : index
    %swap3A_336 = arith.constant 0 : index
    %swap3A_337 = arith.constant 0 : index
    %swap3A_338 = vector.load %arg6[%swap3A_335, %swap3A_336, %swap3A_337] : memref<16x256x128xf32, #tpu.memory_space<vmem>>, vector<1x256x128xf32>
    %swap3A_339 = vector.shape_cast %swap3A_338 : vector<1x256x128xf32> to vector<256x128xf32>
    %swap3A_340 = vector.shape_cast %mul3A_334 : vector<256x128xf32> to vector<1x256x128xf32>
    tpu.vector_store %arg6[%swap3A_335, %swap3A_336, %swap3A_337], %swap3A_340 {strides = array<i32>} : memref<16x256x128xf32, #tpu.memory_space<vmem>>, vector<1x256x128xf32>,
    %get3A_341 = arith.constant 0 : index
    %get3A_342 = vector.load %arg3[%get3A_341] : memref<64xf32, #tpu.memory_space<vmem>>, vector<64xf32>
    %dot_general3A_343 = arith.constant dense<0.000000e+00> : vector<128xf32>
    %dot_general3A_344 = tpu.matmul %get3A_342, %add3A_324, %dot_general3A_343 {dimension_numbers = #tpu.dot_dimension_numbers<[0], [1], [], [0], [1, 0], [], []>, precision = #tpu.contract_precision<fp32>, transpose_lhs_hint = false} : vector<64xf32>, vector<128x64xf32>, vector<128xf32> -> vector<128xf32>
    %broadcast_in_dim3A_345 = vector.shape_cast %dot_general3A_344 : vector<128xf32> to vector<1x128xf32>
    %mul3A_346 = arith.constant 1.250000e-01 : f32
    %mul3A_347 = vector.broadcast %mul3A_346 : f32 to vector<1x128xf32>
    %mul3A_348 = arith.mulf %get3A_314, %mul3A_347 : vector<1x128xf32>
    %mul3A_349 = arith.mulf %broadcast_in_dim3A_345, %mul3A_348 : vector<1x128xf32>
    %transpose3A_350 = tpu.transpose %mul3A_349, [1, 0] : vector<1x128xf32> -> vector<128x1xf32>
    %swap3A_351 = arith.constant 6 : index
    %swap3A_352 = arith.constant 0 : index
    %swap3A_353 = arith.constant 0 : index
    %swap3A_354 = vector.load %arg7[%swap3A_351, %swap3A_352, %swap3A_353] : memref<16x128x1xf32, #tpu.memory_space<vmem>>, vector<1x128x1xf32>
    %swap3A_355 = vector.shape_cast %swap3A_354 : vector<1x128x1xf32> to vector<128x1xf32>
    %swap3A_356 = vector.shape_cast %transpose3A_350 : vector<128x1xf32> to vector<1x128x1xf32>
    tpu.vector_store %arg7[%swap3A_351, %swap3A_352, %swap3A_353], %swap3A_356 {strides = array<i32>} : memref<16x128x1xf32, #tpu.memory_space<vmem>>, vector<1x128x1xf32>,
    %get3A_357 = arith.constant 7 : index
    %get3A_358 = arith.constant 0 : index
    %get3A_359 = arith.constant 0 : index
    %get3A_360 = vector.load %arg0[%get3A_357, %get3A_358, %get3A_359] : memref<16x128x256xf32, #tpu.memory_space<vmem>>, vector<1x128x256xf32>
    %get3A_361 = vector.shape_cast %get3A_360 : vector<1x128x256xf32> to vector<128x256xf32>
    %get3A_362 = arith.constant 7 : index
    %get3A_363 = arith.constant 0 : index
    %get3A_364 = arith.constant 0 : index
    %get3A_365 = vector.load %arg1[%get3A_362, %get3A_363, %get3A_364] : memref<16x1x128xf32, #tpu.memory_space<vmem>>, vector<1x1x128xf32>
    %get3A_366 = vector.shape_cast %get3A_365 : vector<1x1x128xf32> to vector<1x128xf32>
    %get3A_367 = arith.constant 0 : index
    %get3A_368 = arith.constant 0 : index
    %get3A_369 = vector.load %arg4[%get3A_367, %get3A_368] : memref<64x256xf32, #tpu.memory_space<vmem>>, vector<64x256xf32>
    %dot_general3A_370 = arith.constant dense<0.000000e+00> : vector<128x64xf32>
    %dot_general3A_371 = tpu.matmul %get3A_361, %get3A_369, %dot_general3A_370 {dimension_numbers = #tpu.dot_dimension_numbers<[1], [1], [0], [0], [0, 0, 1, 0], [], []>, precision = #tpu.contract_precision<fp32>, transpose_lhs_hint = false} : vector<128x256xf32>, vector<64x256xf32>, vector<128x64xf32> -> vector<128x64xf32>
    %get3A_372 = arith.constant 0 : index
    %get3A_373 = vector.load %arg5[%get3A_372] : memref<64xf32, #tpu.memory_space<vmem>>, vector<64xf32>
    %broadcast_in_dim3A_374 = vector.shape_cast %get3A_373 : vector<64xf32> to vector<1x64xf32>
    %add3A_375 = vector.broadcast %broadcast_in_dim3A_374 : vector<1x64xf32> to vector<128x64xf32>
    %add3A_376 = arith.addf %dot_general3A_371, %add3A_375 : vector<128x64xf32>
    %get3A_377 = arith.constant 0 : index
    %get3A_378 = arith.constant 0 : index
    %get3A_379 = vector.load %arg2[%get3A_377, %get3A_378] : memref<64x256xf32, #tpu.memory_space<vmem>>, vector<64x256xf32>
    %dot_general3A_380 = arith.constant dense<0.000000e+00> : vector<256x128xf32>
    %dot_general3A_381 = tpu.matmul %get3A_379, %add3A_376, %dot_general3A_380 {dimension_numbers = #tpu.dot_dimension_numbers<[0], [1], [1], [0], [0, 1, 1, 0], [], []>, precision = #tpu.contract_precision<fp32>, transpose_lhs_hint = false} : vector<64x256xf32>, vector<128x64xf32>, vector<256x128xf32> -> vector<256x128xf32>
    %mul3A_382 = arith.constant 1.250000e-01 : f32
    %mul3A_383 = vector.broadcast %mul3A_382 : f32 to vector<1x128xf32>
    %mul3A_384 = arith.mulf %get3A_366, %mul3A_383 : vector<1x128xf32>
    %mul3A_385 = vector.broadcast %mul3A_384 : vector<1x128xf32> to vector<256x128xf32>
    %mul3A_386 = arith.mulf %dot_general3A_381, %mul3A_385 : vector<256x128xf32>
    %swap3A_387 = arith.constant 7 : index
    %swap3A_388 = arith.constant 0 : index
    %swap3A_389 = arith.constant 0 : index
    %swap3A_390 = vector.load %arg6[%swap3A_387, %swap3A_388, %swap3A_389] : memref<16x256x128xf32, #tpu.memory_space<vmem>>, vector<1x256x128xf32>
    %swap3A_391 = vector.shape_cast %swap3A_390 : vector<1x256x128xf32> to vector<256x128xf32>
    %swap3A_392 = vector.shape_cast %mul3A_386 : vector<256x128xf32> to vector<1x256x128xf32>
    tpu.vector_store %arg6[%swap3A_387, %swap3A_388, %swap3A_389], %swap3A_392 {strides = array<i32>} : memref<16x256x128xf32, #tpu.memory_space<vmem>>, vector<1x256x128xf32>,
    %get3A_393 = arith.constant 0 : index
    %get3A_394 = vector.load %arg3[%get3A_393] : memref<64xf32, #tpu.memory_space<vmem>>, vector<64xf32>
    %dot_general3A_395 = arith.constant dense<0.000000e+00> : vector<128xf32>
    %dot_general3A_396 = tpu.matmul %get3A_394, %add3A_376, %dot_general3A_395 {dimension_numbers = #tpu.dot_dimension_numbers<[0], [1], [], [0], [1, 0], [], []>, precision = #tpu.contract_precision<fp32>, transpose_lhs_hint = false} : vector<64xf32>, vector<128x64xf32>, vector<128xf32> -> vector<128xf32>
    %broadcast_in_dim3A_397 = vector.shape_cast %dot_general3A_396 : vector<128xf32> to vector<1x128xf32>
    %mul3A_398 = arith.constant 1.250000e-01 : f32
    %mul3A_399 = vector.broadcast %mul3A_398 : f32 to vector<1x128xf32>
    %mul3A_400 = arith.mulf %get3A_366, %mul3A_399 : vector<1x128xf32>
    %mul3A_401 = arith.mulf %broadcast_in_dim3A_397, %mul3A_400 : vector<1x128xf32>
    %transpose3A_402 = tpu.transpose %mul3A_401, [1, 0] : vector<1x128xf32> -> vector<128x1xf32>
    %swap3A_403 = arith.constant 7 : index
    %swap3A_404 = arith.constant 0 : index
    %swap3A_405 = arith.constant 0 : index
    %swap3A_406 = vector.load %arg7[%swap3A_403, %swap3A_404, %swap3A_405] : memref<16x128x1xf32, #tpu.memory_space<vmem>>, vector<1x128x1xf32>
    %swap3A_407 = vector.shape_cast %swap3A_406 : vector<1x128x1xf32> to vector<128x1xf32>
    %swap3A_408 = vector.shape_cast %transpose3A_402 : vector<128x1xf32> to vector<1x128x1xf32>
    tpu.vector_store %arg7[%swap3A_403, %swap3A_404, %swap3A_405], %swap3A_408 {strides = array<i32>} : memref<16x128x1xf32, #tpu.memory_space<vmem>>, vector<1x128x1xf32>,
    %get3A_409 = arith.constant 8 : index
    %get3A_410 = arith.constant 0 : index
    %get3A_411 = arith.constant 0 : index
    %get3A_412 = vector.load %arg0[%get3A_409, %get3A_410, %get3A_411] : memref<16x128x256xf32, #tpu.memory_space<vmem>>, vector<1x128x256xf32>
    %get3A_413 = vector.shape_cast %get3A_412 : vector<1x128x256xf32> to vector<128x256xf32>
    %get3A_414 = arith.constant 8 : index
    %get3A_415 = arith.constant 0 : index
    %get3A_416 = arith.constant 0 : index
    %get3A_417 = vector.load %arg1[%get3A_414, %get3A_415, %get3A_416] : memref<16x1x128xf32, #tpu.memory_space<vmem>>, vector<1x1x128xf32>
    %get3A_418 = vector.shape_cast %get3A_417 : vector<1x1x128xf32> to vector<1x128xf32>
    %get3A_419 = arith.constant 0 : index
    %get3A_420 = arith.constant 0 : index
    %get3A_421 = vector.load %arg4[%get3A_419, %get3A_420] : memref<64x256xf32, #tpu.memory_space<vmem>>, vector<64x256xf32>
    %dot_general3A_422 = arith.constant dense<0.000000e+00> : vector<128x64xf32>
    %dot_general3A_423 = tpu.matmul %get3A_413, %get3A_421, %dot_general3A_422 {dimension_numbers = #tpu.dot_dimension_numbers<[1], [1], [0], [0], [0, 0, 1, 0], [], []>, precision = #tpu.contract_precision<fp32>, transpose_lhs_hint = false} : vector<128x256xf32>, vector<64x256xf32>, vector<128x64xf32> -> vector<128x64xf32>
    %get3A_424 = arith.constant 0 : index
    %get3A_425 = vector.load %arg5[%get3A_424] : memref<64xf32, #tpu.memory_space<vmem>>, vector<64xf32>
    %broadcast_in_dim3A_426 = vector.shape_cast %get3A_425 : vector<64xf32> to vector<1x64xf32>
    %add3A_427 = vector.broadcast %broadcast_in_dim3A_426 : vector<1x64xf32> to vector<128x64xf32>
    %add3A_428 = arith.addf %dot_general3A_423, %add3A_427 : vector<128x64xf32>
    %get3A_429 = arith.constant 0 : index
    %get3A_430 = arith.constant 0 : index
    %get3A_431 = vector.load %arg2[%get3A_429, %get3A_430] : memref<64x256xf32, #tpu.memory_space<vmem>>, vector<64x256xf32>
    %dot_general3A_432 = arith.constant dense<0.000000e+00> : vector<256x128xf32>
    %dot_general3A_433 = tpu.matmul %get3A_431, %add3A_428, %dot_general3A_432 {dimension_numbers = #tpu.dot_dimension_numbers<[0], [1], [1], [0], [0, 1, 1, 0], [], []>, precision = #tpu.contract_precision<fp32>, transpose_lhs_hint = false} : vector<64x256xf32>, vector<128x64xf32>, vector<256x128xf32> -> vector<256x128xf32>
    %mul3A_434 = arith.constant 1.250000e-01 : f32
    %mul3A_435 = vector.broadcast %mul3A_434 : f32 to vector<1x128xf32>
    %mul3A_436 = arith.mulf %get3A_418, %mul3A_435 : vector<1x128xf32>
    %mul3A_437 = vector.broadcast %mul3A_436 : vector<1x128xf32> to vector<256x128xf32>
    %mul3A_438 = arith.mulf %dot_general3A_433, %mul3A_437 : vector<256x128xf32>
    %swap3A_439 = arith.constant 8 : index
    %swap3A_440 = arith.constant 0 : index
    %swap3A_441 = arith.constant 0 : index
    %swap3A_442 = vector.load %arg6[%swap3A_439, %swap3A_440, %swap3A_441] : memref<16x256x128xf32, #tpu.memory_space<vmem>>, vector<1x256x128xf32>
    %swap3A_443 = vector.shape_cast %swap3A_442 : vector<1x256x128xf32> to vector<256x128xf32>
    %swap3A_444 = vector.shape_cast %mul3A_438 : vector<256x128xf32> to vector<1x256x128xf32>
    tpu.vector_store %arg6[%swap3A_439, %swap3A_440, %swap3A_441], %swap3A_444 {strides = array<i32>} : memref<16x256x128xf32, #tpu.memory_space<vmem>>, vector<1x256x128xf32>,
    %get3A_445 = arith.constant 0 : index
    %get3A_446 = vector.load %arg3[%get3A_445] : memref<64xf32, #tpu.memory_space<vmem>>, vector<64xf32>
    %dot_general3A_447 = arith.constant dense<0.000000e+00> : vector<128xf32>
    %dot_general3A_448 = tpu.matmul %get3A_446, %add3A_428, %dot_general3A_447 {dimension_numbers = #tpu.dot_dimension_numbers<[0], [1], [], [0], [1, 0], [], []>, precision = #tpu.contract_precision<fp32>, transpose_lhs_hint = false} : vector<64xf32>, vector<128x64xf32>, vector<128xf32> -> vector<128xf32>
    %broadcast_in_dim3A_449 = vector.shape_cast %dot_general3A_448 : vector<128xf32> to vector<1x128xf32>
    %mul3A_450 = arith.constant 1.250000e-01 : f32
    %mul3A_451 = vector.broadcast %mul3A_450 : f32 to vector<1x128xf32>
    %mul3A_452 = arith.mulf %get3A_418, %mul3A_451 : vector<1x128xf32>
    %mul3A_453 = arith.mulf %broadcast_in_dim3A_449, %mul3A_452 : vector<1x128xf32>
    %transpose3A_454 = tpu.transpose %mul3A_453, [1, 0] : vector<1x128xf32> -> vector<128x1xf32>
    %swap3A_455 = arith.constant 8 : index
    %swap3A_456 = arith.constant 0 : index
    %swap3A_457 = arith.constant 0 : index
    %swap3A_458 = vector.load %arg7[%swap3A_455, %swap3A_456, %swap3A_457] : memref<16x128x1xf32, #tpu.memory_space<vmem>>, vector<1x128x1xf32>
    %swap3A_459 = vector.shape_cast %swap3A_458 : vector<1x128x1xf32> to vector<128x1xf32>
    %swap3A_460 = vector.shape_cast %transpose3A_454 : vector<128x1xf32> to vector<1x128x1xf32>
    tpu.vector_store %arg7[%swap3A_455, %swap3A_456, %swap3A_457], %swap3A_460 {strides = array<i32>} : memref<16x128x1xf32, #tpu.memory_space<vmem>>, vector<1x128x1xf32>,
    %get3A_461 = arith.constant 9 : index
    %get3A_462 = arith.constant 0 : index
    %get3A_463 = arith.constant 0 : index
    %get3A_464 = vector.load %arg0[%get3A_461, %get3A_462, %get3A_463] : memref<16x128x256xf32, #tpu.memory_space<vmem>>, vector<1x128x256xf32>
    %get3A_465 = vector.shape_cast %get3A_464 : vector<1x128x256xf32> to vector<128x256xf32>
    %get3A_466 = arith.constant 9 : index
    %get3A_467 = arith.constant 0 : index
    %get3A_468 = arith.constant 0 : index
    %get3A_469 = vector.load %arg1[%get3A_466, %get3A_467, %get3A_468] : memref<16x1x128xf32, #tpu.memory_space<vmem>>, vector<1x1x128xf32>
    %get3A_470 = vector.shape_cast %get3A_469 : vector<1x1x128xf32> to vector<1x128xf32>
    %get3A_471 = arith.constant 0 : index
    %get3A_472 = arith.constant 0 : index
    %get3A_473 = vector.load %arg4[%get3A_471, %get3A_472] : memref<64x256xf32, #tpu.memory_space<vmem>>, vector<64x256xf32>
    %dot_general3A_474 = arith.constant dense<0.000000e+00> : vector<128x64xf32>
    %dot_general3A_475 = tpu.matmul %get3A_465, %get3A_473, %dot_general3A_474 {dimension_numbers = #tpu.dot_dimension_numbers<[1], [1], [0], [0], [0, 0, 1, 0], [], []>, precision = #tpu.contract_precision<fp32>, transpose_lhs_hint = false} : vector<128x256xf32>, vector<64x256xf32>, vector<128x64xf32> -> vector<128x64xf32>
    %get3A_476 = arith.constant 0 : index
    %get3A_477 = vector.load %arg5[%get3A_476] : memref<64xf32, #tpu.memory_space<vmem>>, vector<64xf32>
    %broadcast_in_dim3A_478 = vector.shape_cast %get3A_477 : vector<64xf32> to vector<1x64xf32>
    %add3A_479 = vector.broadcast %broadcast_in_dim3A_478 : vector<1x64xf32> to vector<128x64xf32>
    %add3A_480 = arith.addf %dot_general3A_475, %add3A_479 : vector<128x64xf32>
    %get3A_481 = arith.constant 0 : index
    %get3A_482 = arith.constant 0 : index
    %get3A_483 = vector.load %arg2[%get3A_481, %get3A_482] : memref<64x256xf32, #tpu.memory_space<vmem>>, vector<64x256xf32>
    %dot_general3A_484 = arith.constant dense<0.000000e+00> : vector<256x128xf32>
    %dot_general3A_485 = tpu.matmul %get3A_483, %add3A_480, %dot_general3A_484 {dimension_numbers = #tpu.dot_dimension_numbers<[0], [1], [1], [0], [0, 1, 1, 0], [], []>, precision = #tpu.contract_precision<fp32>, transpose_lhs_hint = false} : vector<64x256xf32>, vector<128x64xf32>, vector<256x128xf32> -> vector<256x128xf32>
    %mul3A_486 = arith.constant 1.250000e-01 : f32
    %mul3A_487 = vector.broadcast %mul3A_486 : f32 to vector<1x128xf32>
    %mul3A_488 = arith.mulf %get3A_470, %mul3A_487 : vector<1x128xf32>
    %mul3A_489 = vector.broadcast %mul3A_488 : vector<1x128xf32> to vector<256x128xf32>
    %mul3A_490 = arith.mulf %dot_general3A_485, %mul3A_489 : vector<256x128xf32>
    %swap3A_491 = arith.constant 9 : index
    %swap3A_492 = arith.constant 0 : index
    %swap3A_493 = arith.constant 0 : index
    %swap3A_494 = vector.load %arg6[%swap3A_491, %swap3A_492, %swap3A_493] : memref<16x256x128xf32, #tpu.memory_space<vmem>>, vector<1x256x128xf32>
    %swap3A_495 = vector.shape_cast %swap3A_494 : vector<1x256x128xf32> to vector<256x128xf32>
    %swap3A_496 = vector.shape_cast %mul3A_490 : vector<256x128xf32> to vector<1x256x128xf32>
    tpu.vector_store %arg6[%swap3A_491, %swap3A_492, %swap3A_493], %swap3A_496 {strides = array<i32>} : memref<16x256x128xf32, #tpu.memory_space<vmem>>, vector<1x256x128xf32>,
    %get3A_497 = arith.constant 0 : index
    %get3A_498 = vector.load %arg3[%get3A_497] : memref<64xf32, #tpu.memory_space<vmem>>, vector<64xf32>
    %dot_general3A_499 = arith.constant dense<0.000000e+00> : vector<128xf32>
    %dot_general3A_500 = tpu.matmul %get3A_498, %add3A_480, %dot_general3A_499 {dimension_numbers = #tpu.dot_dimension_numbers<[0], [1], [], [0], [1, 0], [], []>, precision = #tpu.contract_precision<fp32>, transpose_lhs_hint = false} : vector<64xf32>, vector<128x64xf32>, vector<128xf32> -> vector<128xf32>
    %broadcast_in_dim3A_501 = vector.shape_cast %dot_general3A_500 : vector<128xf32> to vector<1x128xf32>
    %mul3A_502 = arith.constant 1.250000e-01 : f32
    %mul3A_503 = vector.broadcast %mul3A_502 : f32 to vector<1x128xf32>
    %mul3A_504 = arith.mulf %get3A_470, %mul3A_503 : vector<1x128xf32>
    %mul3A_505 = arith.mulf %broadcast_in_dim3A_501, %mul3A_504 : vector<1x128xf32>
    %transpose3A_506 = tpu.transpose %mul3A_505, [1, 0] : vector<1x128xf32> -> vector<128x1xf32>
    %swap3A_507 = arith.constant 9 : index
    %swap3A_508 = arith.constant 0 : index
    %swap3A_509 = arith.constant 0 : index
    %swap3A_510 = vector.load %arg7[%swap3A_507, %swap3A_508, %swap3A_509] : memref<16x128x1xf32, #tpu.memory_space<vmem>>, vector<1x128x1xf32>
    %swap3A_511 = vector.shape_cast %swap3A_510 : vector<1x128x1xf32> to vector<128x1xf32>
    %swap3A_512 = vector.shape_cast %transpose3A_506 : vector<128x1xf32> to vector<1x128x1xf32>
    tpu.vector_store %arg7[%swap3A_507, %swap3A_508, %swap3A_509], %swap3A_512 {strides = array<i32>} : memref<16x128x1xf32, #tpu.memory_space<vmem>>, vector<1x128x1xf32>,
    %get3A_513 = arith.constant 10 : index
    %get3A_514 = arith.constant 0 : index
    %get3A_515 = arith.constant 0 : index
    %get3A_516 = vector.load %arg0[%get3A_513, %get3A_514, %get3A_515] : memref<16x128x256xf32, #tpu.memory_space<vmem>>, vector<1x128x256xf32>
    %get3A_517 = vector.shape_cast %get3A_516 : vector<1x128x256xf32> to vector<128x256xf32>
    %get3A_518 = arith.constant 10 : index
    %get3A_519 = arith.constant 0 : index
    %get3A_520 = arith.constant 0 : index
    %get3A_521 = vector.load %arg1[%get3A_518, %get3A_519, %get3A_520] : memref<16x1x128xf32, #tpu.memory_space<vmem>>, vector<1x1x128xf32>
    %get3A_522 = vector.shape_cast %get3A_521 : vector<1x1x128xf32> to vector<1x128xf32>
    %get3A_523 = arith.constant 0 : index
    %get3A_524 = arith.constant 0 : index
    %get3A_525 = vector.load %arg4[%get3A_523, %get3A_524] : memref<64x256xf32, #tpu.memory_space<vmem>>, vector<64x256xf32>
    %dot_general3A_526 = arith.constant dense<0.000000e+00> : vector<128x64xf32>
    %dot_general3A_527 = tpu.matmul %get3A_517, %get3A_525, %dot_general3A_526 {dimension_numbers = #tpu.dot_dimension_numbers<[1], [1], [0], [0], [0, 0, 1, 0], [], []>, precision = #tpu.contract_precision<fp32>, transpose_lhs_hint = false} : vector<128x256xf32>, vector<64x256xf32>, vector<128x64xf32> -> vector<128x64xf32>
    %get3A_528 = arith.constant 0 : index
    %get3A_529 = vector.load %arg5[%get3A_528] : memref<64xf32, #tpu.memory_space<vmem>>, vector<64xf32>
    %broadcast_in_dim3A_530 = vector.shape_cast %get3A_529 : vector<64xf32> to vector<1x64xf32>
    %add3A_531 = vector.broadcast %broadcast_in_dim3A_530 : vector<1x64xf32> to vector<128x64xf32>
    %add3A_532 = arith.addf %dot_general3A_527, %add3A_531 : vector<128x64xf32>
    %get3A_533 = arith.constant 0 : index
    %get3A_534 = arith.constant 0 : index
    %get3A_535 = vector.load %arg2[%get3A_533, %get3A_534] : memref<64x256xf32, #tpu.memory_space<vmem>>, vector<64x256xf32>
    %dot_general3A_536 = arith.constant dense<0.000000e+00> : vector<256x128xf32>
    %dot_general3A_537 = tpu.matmul %get3A_535, %add3A_532, %dot_general3A_536 {dimension_numbers = #tpu.dot_dimension_numbers<[0], [1], [1], [0], [0, 1, 1, 0], [], []>, precision = #tpu.contract_precision<fp32>, transpose_lhs_hint = false} : vector<64x256xf32>, vector<128x64xf32>, vector<256x128xf32> -> vector<256x128xf32>
    %mul3A_538 = arith.constant 1.250000e-01 : f32
    %mul3A_539 = vector.broadcast %mul3A_538 : f32 to vector<1x128xf32>
    %mul3A_540 = arith.mulf %get3A_522, %mul3A_539 : vector<1x128xf32>
    %mul3A_541 = vector.broadcast %mul3A_540 : vector<1x128xf32> to vector<256x128xf32>
    %mul3A_542 = arith.mulf %dot_general3A_537, %mul3A_541 : vector<256x128xf32>
    %swap3A_543 = arith.constant 10 : index
    %swap3A_544 = arith.constant 0 : index
    %swap3A_545 = arith.constant 0 : index
    %swap3A_546 = vector.load %arg6[%swap3A_543, %swap3A_544, %swap3A_545] : memref<16x256x128xf32, #tpu.memory_space<vmem>>, vector<1x256x128xf32>
    %swap3A_547 = vector.shape_cast %swap3A_546 : vector<1x256x128xf32> to vector<256x128xf32>
    %swap3A_548 = vector.shape_cast %mul3A_542 : vector<256x128xf32> to vector<1x256x128xf32>
    tpu.vector_store %arg6[%swap3A_543, %swap3A_544, %swap3A_545], %swap3A_548 {strides = array<i32>} : memref<16x256x128xf32, #tpu.memory_space<vmem>>, vector<1x256x128xf32>,
    %get3A_549 = arith.constant 0 : index
    %get3A_550 = vector.load %arg3[%get3A_549] : memref<64xf32, #tpu.memory_space<vmem>>, vector<64xf32>
    %dot_general3A_551 = arith.constant dense<0.000000e+00> : vector<128xf32>
    %dot_general3A_552 = tpu.matmul %get3A_550, %add3A_532, %dot_general3A_551 {dimension_numbers = #tpu.dot_dimension_numbers<[0], [1], [], [0], [1, 0], [], []>, precision = #tpu.contract_precision<fp32>, transpose_lhs_hint = false} : vector<64xf32>, vector<128x64xf32>, vector<128xf32> -> vector<128xf32>
    %broadcast_in_dim3A_553 = vector.shape_cast %dot_general3A_552 : vector<128xf32> to vector<1x128xf32>
    %mul3A_554 = arith.constant 1.250000e-01 : f32
    %mul3A_555 = vector.broadcast %mul3A_554 : f32 to vector<1x128xf32>
    %mul3A_556 = arith.mulf %get3A_522, %mul3A_555 : vector<1x128xf32>
    %mul3A_557 = arith.mulf %broadcast_in_dim3A_553, %mul3A_556 : vector<1x128xf32>
    %transpose3A_558 = tpu.transpose %mul3A_557, [1, 0] : vector<1x128xf32> -> vector<128x1xf32>
    %swap3A_559 = arith.constant 10 : index
    %swap3A_560 = arith.constant 0 : index
    %swap3A_561 = arith.constant 0 : index
    %swap3A_562 = vector.load %arg7[%swap3A_559, %swap3A_560, %swap3A_561] : memref<16x128x1xf32, #tpu.memory_space<vmem>>, vector<1x128x1xf32>
    %swap3A_563 = vector.shape_cast %swap3A_562 : vector<1x128x1xf32> to vector<128x1xf32>
    %swap3A_564 = vector.shape_cast %transpose3A_558 : vector<128x1xf32> to vector<1x128x1xf32>
    tpu.vector_store %arg7[%swap3A_559, %swap3A_560, %swap3A_561], %swap3A_564 {strides = array<i32>} : memref<16x128x1xf32, #tpu.memory_space<vmem>>, vector<1x128x1xf32>,
    %get3A_565 = arith.constant 11 : index
    %get3A_566 = arith.constant 0 : index
    %get3A_567 = arith.constant 0 : index
    %get3A_568 = vector.load %arg0[%get3A_565, %get3A_566, %get3A_567] : memref<16x128x256xf32, #tpu.memory_space<vmem>>, vector<1x128x256xf32>
    %get3A_569 = vector.shape_cast %get3A_568 : vector<1x128x256xf32> to vector<128x256xf32>
    %get3A_570 = arith.constant 11 : index
    %get3A_571 = arith.constant 0 : index
    %get3A_572 = arith.constant 0 : index
    %get3A_573 = vector.load %arg1[%get3A_570, %get3A_571, %get3A_572] : memref<16x1x128xf32, #tpu.memory_space<vmem>>, vector<1x1x128xf32>
    %get3A_574 = vector.shape_cast %get3A_573 : vector<1x1x128xf32> to vector<1x128xf32>
    %get3A_575 = arith.constant 0 : index
    %get3A_576 = arith.constant 0 : index
    %get3A_577 = vector.load %arg4[%get3A_575, %get3A_576] : memref<64x256xf32, #tpu.memory_space<vmem>>, vector<64x256xf32>
    %dot_general3A_578 = arith.constant dense<0.000000e+00> : vector<128x64xf32>
    %dot_general3A_579 = tpu.matmul %get3A_569, %get3A_577, %dot_general3A_578 {dimension_numbers = #tpu.dot_dimension_numbers<[1], [1], [0], [0], [0, 0, 1, 0], [], []>, precision = #tpu.contract_precision<fp32>, transpose_lhs_hint = false} : vector<128x256xf32>, vector<64x256xf32>, vector<128x64xf32> -> vector<128x64xf32>
    %get3A_580 = arith.constant 0 : index
    %get3A_581 = vector.load %arg5[%get3A_580] : memref<64xf32, #tpu.memory_space<vmem>>, vector<64xf32>
    %broadcast_in_dim3A_582 = vector.shape_cast %get3A_581 : vector<64xf32> to vector<1x64xf32>
    %add3A_583 = vector.broadcast %broadcast_in_dim3A_582 : vector<1x64xf32> to vector<128x64xf32>
    %add3A_584 = arith.addf %dot_general3A_579, %add3A_583 : vector<128x64xf32>
    %get3A_585 = arith.constant 0 : index
    %get3A_586 = arith.constant 0 : index
    %get3A_587 = vector.load %arg2[%get3A_585, %get3A_586] : memref<64x256xf32, #tpu.memory_space<vmem>>, vector<64x256xf32>
    %dot_general3A_588 = arith.constant dense<0.000000e+00> : vector<256x128xf32>
    %dot_general3A_589 = tpu.matmul %get3A_587, %add3A_584, %dot_general3A_588 {dimension_numbers = #tpu.dot_dimension_numbers<[0], [1], [1], [0], [0, 1, 1, 0], [], []>, precision = #tpu.contract_precision<fp32>, transpose_lhs_hint = false} : vector<64x256xf32>, vector<128x64xf32>, vector<256x128xf32> -> vector<256x128xf32>
    %mul3A_590 = arith.constant 1.250000e-01 : f32
    %mul3A_591 = vector.broadcast %mul3A_590 : f32 to vector<1x128xf32>
    %mul3A_592 = arith.mulf %get3A_574, %mul3A_591 : vector<1x128xf32>
    %mul3A_593 = vector.broadcast %mul3A_592 : vector<1x128xf32> to vector<256x128xf32>
    %mul3A_594 = arith.mulf %dot_general3A_589, %mul3A_593 : vector<256x128xf32>
    %swap3A_595 = arith.constant 11 : index
    %swap3A_596 = arith.constant 0 : index
    %swap3A_597 = arith.constant 0 : index
    %swap3A_598 = vector.load %arg6[%swap3A_595, %swap3A_596, %swap3A_597] : memref<16x256x128xf32, #tpu.memory_space<vmem>>, vector<1x256x128xf32>
    %swap3A_599 = vector.shape_cast %swap3A_598 : vector<1x256x128xf32> to vector<256x128xf32>
    %swap3A_600 = vector.shape_cast %mul3A_594 : vector<256x128xf32> to vector<1x256x128xf32>
    tpu.vector_store %arg6[%swap3A_595, %swap3A_596, %swap3A_597], %swap3A_600 {strides = array<i32>} : memref<16x256x128xf32, #tpu.memory_space<vmem>>, vector<1x256x128xf32>,
    %get3A_601 = arith.constant 0 : index
    %get3A_602 = vector.load %arg3[%get3A_601] : memref<64xf32, #tpu.memory_space<vmem>>, vector<64xf32>
    %dot_general3A_603 = arith.constant dense<0.000000e+00> : vector<128xf32>
    %dot_general3A_604 = tpu.matmul %get3A_602, %add3A_584, %dot_general3A_603 {dimension_numbers = #tpu.dot_dimension_numbers<[0], [1], [], [0], [1, 0], [], []>, precision = #tpu.contract_precision<fp32>, transpose_lhs_hint = false} : vector<64xf32>, vector<128x64xf32>, vector<128xf32> -> vector<128xf32>
    %broadcast_in_dim3A_605 = vector.shape_cast %dot_general3A_604 : vector<128xf32> to vector<1x128xf32>
    %mul3A_606 = arith.constant 1.250000e-01 : f32
    %mul3A_607 = vector.broadcast %mul3A_606 : f32 to vector<1x128xf32>
    %mul3A_608 = arith.mulf %get3A_574, %mul3A_607 : vector<1x128xf32>
    %mul3A_609 = arith.mulf %broadcast_in_dim3A_605, %mul3A_608 : vector<1x128xf32>
    %transpose3A_610 = tpu.transpose %mul3A_609, [1, 0] : vector<1x128xf32> -> vector<128x1xf32>
    %swap3A_611 = arith.constant 11 : index
    %swap3A_612 = arith.constant 0 : index
    %swap3A_613 = arith.constant 0 : index
    %swap3A_614 = vector.load %arg7[%swap3A_611, %swap3A_612, %swap3A_613] : memref<16x128x1xf32, #tpu.memory_space<vmem>>, vector<1x128x1xf32>
    %swap3A_615 = vector.shape_cast %swap3A_614 : vector<1x128x1xf32> to vector<128x1xf32>
    %swap3A_616 = vector.shape_cast %transpose3A_610 : vector<128x1xf32> to vector<1x128x1xf32>
    tpu.vector_store %arg7[%swap3A_611, %swap3A_612, %swap3A_613], %swap3A_616 {strides = array<i32>} : memref<16x128x1xf32, #tpu.memory_space<vmem>>, vector<1x128x1xf32>,
    %get3A_617 = arith.constant 12 : index
    %get3A_618 = arith.constant 0 : index
    %get3A_619 = arith.constant 0 : index
    %get3A_620 = vector.load %arg0[%get3A_617, %get3A_618, %get3A_619] : memref<16x128x256xf32, #tpu.memory_space<vmem>>, vector<1x128x256xf32>
    %get3A_621 = vector.shape_cast %get3A_620 : vector<1x128x256xf32> to vector<128x256xf32>
    %get3A_622 = arith.constant 12 : index
    %get3A_623 = arith.constant 0 : index
    %get3A_624 = arith.constant 0 : index
    %get3A_625 = vector.load %arg1[%get3A_622, %get3A_623, %get3A_624] : memref<16x1x128xf32, #tpu.memory_space<vmem>>, vector<1x1x128xf32>
    %get3A_626 = vector.shape_cast %get3A_625 : vector<1x1x128xf32> to vector<1x128xf32>
    %get3A_627 = arith.constant 0 : index
    %get3A_628 = arith.constant 0 : index
    %get3A_629 = vector.load %arg4[%get3A_627, %get3A_628] : memref<64x256xf32, #tpu.memory_space<vmem>>, vector<64x256xf32>
    %dot_general3A_630 = arith.constant dense<0.000000e+00> : vector<128x64xf32>
    %dot_general3A_631 = tpu.matmul %get3A_621, %get3A_629, %dot_general3A_630 {dimension_numbers = #tpu.dot_dimension_numbers<[1], [1], [0], [0], [0, 0, 1, 0], [], []>, precision = #tpu.contract_precision<fp32>, transpose_lhs_hint = false} : vector<128x256xf32>, vector<64x256xf32>, vector<128x64xf32> -> vector<128x64xf32>
    %get3A_632 = arith.constant 0 : index
    %get3A_633 = vector.load %arg5[%get3A_632] : memref<64xf32, #tpu.memory_space<vmem>>, vector<64xf32>
    %broadcast_in_dim3A_634 = vector.shape_cast %get3A_633 : vector<64xf32> to vector<1x64xf32>
    %add3A_635 = vector.broadcast %broadcast_in_dim3A_634 : vector<1x64xf32> to vector<128x64xf32>
    %add3A_636 = arith.addf %dot_general3A_631, %add3A_635 : vector<128x64xf32>
    %get3A_637 = arith.constant 0 : index
    %get3A_638 = arith.constant 0 : index
    %get3A_639 = vector.load %arg2[%get3A_637, %get3A_638] : memref<64x256xf32, #tpu.memory_space<vmem>>, vector<64x256xf32>
    %dot_general3A_640 = arith.constant dense<0.000000e+00> : vector<256x128xf32>
    %dot_general3A_641 = tpu.matmul %get3A_639, %add3A_636, %dot_general3A_640 {dimension_numbers = #tpu.dot_dimension_numbers<[0], [1], [1], [0], [0, 1, 1, 0], [], []>, precision = #tpu.contract_precision<fp32>, transpose_lhs_hint = false} : vector<64x256xf32>, vector<128x64xf32>, vector<256x128xf32> -> vector<256x128xf32>
    %mul3A_642 = arith.constant 1.250000e-01 : f32
    %mul3A_643 = vector.broadcast %mul3A_642 : f32 to vector<1x128xf32>
    %mul3A_644 = arith.mulf %get3A_626, %mul3A_643 : vector<1x128xf32>
    %mul3A_645 = vector.broadcast %mul3A_644 : vector<1x128xf32> to vector<256x128xf32>
    %mul3A_646 = arith.mulf %dot_general3A_641, %mul3A_645 : vector<256x128xf32>
    %swap3A_647 = arith.constant 12 : index
    %swap3A_648 = arith.constant 0 : index
    %swap3A_649 = arith.constant 0 : index
    %swap3A_650 = vector.load %arg6[%swap3A_647, %swap3A_648, %swap3A_649] : memref<16x256x128xf32, #tpu.memory_space<vmem>>, vector<1x256x128xf32>
    %swap3A_651 = vector.shape_cast %swap3A_650 : vector<1x256x128xf32> to vector<256x128xf32>
    %swap3A_652 = vector.shape_cast %mul3A_646 : vector<256x128xf32> to vector<1x256x128xf32>
    tpu.vector_store %arg6[%swap3A_647, %swap3A_648, %swap3A_649], %swap3A_652 {strides = array<i32>} : memref<16x256x128xf32, #tpu.memory_space<vmem>>, vector<1x256x128xf32>,
    %get3A_653 = arith.constant 0 : index
    %get3A_654 = vector.load %arg3[%get3A_653] : memref<64xf32, #tpu.memory_space<vmem>>, vector<64xf32>
    %dot_general3A_655 = arith.constant dense<0.000000e+00> : vector<128xf32>
    %dot_general3A_656 = tpu.matmul %get3A_654, %add3A_636, %dot_general3A_655 {dimension_numbers = #tpu.dot_dimension_numbers<[0], [1], [], [0], [1, 0], [], []>, precision = #tpu.contract_precision<fp32>, transpose_lhs_hint = false} : vector<64xf32>, vector<128x64xf32>, vector<128xf32> -> vector<128xf32>
    %broadcast_in_dim3A_657 = vector.shape_cast %dot_general3A_656 : vector<128xf32> to vector<1x128xf32>
    %mul3A_658 = arith.constant 1.250000e-01 : f32
    %mul3A_659 = vector.broadcast %mul3A_658 : f32 to vector<1x128xf32>
    %mul3A_660 = arith.mulf %get3A_626, %mul3A_659 : vector<1x128xf32>
    %mul3A_661 = arith.mulf %broadcast_in_dim3A_657, %mul3A_660 : vector<1x128xf32>
    %transpose3A_662 = tpu.transpose %mul3A_661, [1, 0] : vector<1x128xf32> -> vector<128x1xf32>
    %swap3A_663 = arith.constant 12 : index
    %swap3A_664 = arith.constant 0 : index
    %swap3A_665 = arith.constant 0 : index
    %swap3A_666 = vector.load %arg7[%swap3A_663, %swap3A_664, %swap3A_665] : memref<16x128x1xf32, #tpu.memory_space<vmem>>, vector<1x128x1xf32>
    %swap3A_667 = vector.shape_cast %swap3A_666 : vector<1x128x1xf32> to vector<128x1xf32>
    %swap3A_668 = vector.shape_cast %transpose3A_662 : vector<128x1xf32> to vector<1x128x1xf32>
    tpu.vector_store %arg7[%swap3A_663, %swap3A_664, %swap3A_665], %swap3A_668 {strides = array<i32>} : memref<16x128x1xf32, #tpu.memory_space<vmem>>, vector<1x128x1xf32>,
    %get3A_669 = arith.constant 13 : index
    %get3A_670 = arith.constant 0 : index
    %get3A_671 = arith.constant 0 : index
    %get3A_672 = vector.load %arg0[%get3A_669, %get3A_670, %get3A_671] : memref<16x128x256xf32, #tpu.memory_space<vmem>>, vector<1x128x256xf32>
    %get3A_673 = vector.shape_cast %get3A_672 : vector<1x128x256xf32> to vector<128x256xf32>
    %get3A_674 = arith.constant 13 : index
    %get3A_675 = arith.constant 0 : index
    %get3A_676 = arith.constant 0 : index
    %get3A_677 = vector.load %arg1[%get3A_674, %get3A_675, %get3A_676] : memref<16x1x128xf32, #tpu.memory_space<vmem>>, vector<1x1x128xf32>
    %get3A_678 = vector.shape_cast %get3A_677 : vector<1x1x128xf32> to vector<1x128xf32>
    %get3A_679 = arith.constant 0 : index
    %get3A_680 = arith.constant 0 : index
    %get3A_681 = vector.load %arg4[%get3A_679, %get3A_680] : memref<64x256xf32, #tpu.memory_space<vmem>>, vector<64x256xf32>
    %dot_general3A_682 = arith.constant dense<0.000000e+00> : vector<128x64xf32>
    %dot_general3A_683 = tpu.matmul %get3A_673, %get3A_681, %dot_general3A_682 {dimension_numbers = #tpu.dot_dimension_numbers<[1], [1], [0], [0], [0, 0, 1, 0], [], []>, precision = #tpu.contract_precision<fp32>, transpose_lhs_hint = false} : vector<128x256xf32>, vector<64x256xf32>, vector<128x64xf32> -> vector<128x64xf32>
    %get3A_684 = arith.constant 0 : index
    %get3A_685 = vector.load %arg5[%get3A_684] : memref<64xf32, #tpu.memory_space<vmem>>, vector<64xf32>
    %broadcast_in_dim3A_686 = vector.shape_cast %get3A_685 : vector<64xf32> to vector<1x64xf32>
    %add3A_687 = vector.broadcast %broadcast_in_dim3A_686 : vector<1x64xf32> to vector<128x64xf32>
    %add3A_688 = arith.addf %dot_general3A_683, %add3A_687 : vector<128x64xf32>
    %get3A_689 = arith.constant 0 : index
    %get3A_690 = arith.constant 0 : index
    %get3A_691 = vector.load %arg2[%get3A_689, %get3A_690] : memref<64x256xf32, #tpu.memory_space<vmem>>, vector<64x256xf32>
    %dot_general3A_692 = arith.constant dense<0.000000e+00> : vector<256x128xf32>
    %dot_general3A_693 = tpu.matmul %get3A_691, %add3A_688, %dot_general3A_692 {dimension_numbers = #tpu.dot_dimension_numbers<[0], [1], [1], [0], [0, 1, 1, 0], [], []>, precision = #tpu.contract_precision<fp32>, transpose_lhs_hint = false} : vector<64x256xf32>, vector<128x64xf32>, vector<256x128xf32> -> vector<256x128xf32>
    %mul3A_694 = arith.constant 1.250000e-01 : f32
    %mul3A_695 = vector.broadcast %mul3A_694 : f32 to vector<1x128xf32>
    %mul3A_696 = arith.mulf %get3A_678, %mul3A_695 : vector<1x128xf32>
    %mul3A_697 = vector.broadcast %mul3A_696 : vector<1x128xf32> to vector<256x128xf32>
    %mul3A_698 = arith.mulf %dot_general3A_693, %mul3A_697 : vector<256x128xf32>
    %swap3A_699 = arith.constant 13 : index
    %swap3A_700 = arith.constant 0 : index
    %swap3A_701 = arith.constant 0 : index
    %swap3A_702 = vector.load %arg6[%swap3A_699, %swap3A_700, %swap3A_701] : memref<16x256x128xf32, #tpu.memory_space<vmem>>, vector<1x256x128xf32>
    %swap3A_703 = vector.shape_cast %swap3A_702 : vector<1x256x128xf32> to vector<256x128xf32>
    %swap3A_704 = vector.shape_cast %mul3A_698 : vector<256x128xf32> to vector<1x256x128xf32>
    tpu.vector_store %arg6[%swap3A_699, %swap3A_700, %swap3A_701], %swap3A_704 {strides = array<i32>} : memref<16x256x128xf32, #tpu.memory_space<vmem>>, vector<1x256x128xf32>,
    %get3A_705 = arith.constant 0 : index
    %get3A_706 = vector.load %arg3[%get3A_705] : memref<64xf32, #tpu.memory_space<vmem>>, vector<64xf32>
    %dot_general3A_707 = arith.constant dense<0.000000e+00> : vector<128xf32>
    %dot_general3A_708 = tpu.matmul %get3A_706, %add3A_688, %dot_general3A_707 {dimension_numbers = #tpu.dot_dimension_numbers<[0], [1], [], [0], [1, 0], [], []>, precision = #tpu.contract_precision<fp32>, transpose_lhs_hint = false} : vector<64xf32>, vector<128x64xf32>, vector<128xf32> -> vector<128xf32>
    %broadcast_in_dim3A_709 = vector.shape_cast %dot_general3A_708 : vector<128xf32> to vector<1x128xf32>
    %mul3A_710 = arith.constant 1.250000e-01 : f32
    %mul3A_711 = vector.broadcast %mul3A_710 : f32 to vector<1x128xf32>
    %mul3A_712 = arith.mulf %get3A_678, %mul3A_711 : vector<1x128xf32>
    %mul3A_713 = arith.mulf %broadcast_in_dim3A_709, %mul3A_712 : vector<1x128xf32>
    %transpose3A_714 = tpu.transpose %mul3A_713, [1, 0] : vector<1x128xf32> -> vector<128x1xf32>
    %swap3A_715 = arith.constant 13 : index
    %swap3A_716 = arith.constant 0 : index
    %swap3A_717 = arith.constant 0 : index
    %swap3A_718 = vector.load %arg7[%swap3A_715, %swap3A_716, %swap3A_717] : memref<16x128x1xf32, #tpu.memory_space<vmem>>, vector<1x128x1xf32>
    %swap3A_719 = vector.shape_cast %swap3A_718 : vector<1x128x1xf32> to vector<128x1xf32>
    %swap3A_720 = vector.shape_cast %transpose3A_714 : vector<128x1xf32> to vector<1x128x1xf32>
    tpu.vector_store %arg7[%swap3A_715, %swap3A_716, %swap3A_717], %swap3A_720 {strides = array<i32>} : memref<16x128x1xf32, #tpu.memory_space<vmem>>, vector<1x128x1xf32>,
    %get3A_721 = arith.constant 14 : index
    %get3A_722 = arith.constant 0 : index
    %get3A_723 = arith.constant 0 : index
    %get3A_724 = vector.load %arg0[%get3A_721, %get3A_722, %get3A_723] : memref<16x128x256xf32, #tpu.memory_space<vmem>>, vector<1x128x256xf32>
    %get3A_725 = vector.shape_cast %get3A_724 : vector<1x128x256xf32> to vector<128x256xf32>
    %get3A_726 = arith.constant 14 : index
    %get3A_727 = arith.constant 0 : index
    %get3A_728 = arith.constant 0 : index
    %get3A_729 = vector.load %arg1[%get3A_726, %get3A_727, %get3A_728] : memref<16x1x128xf32, #tpu.memory_space<vmem>>, vector<1x1x128xf32>
    %get3A_730 = vector.shape_cast %get3A_729 : vector<1x1x128xf32> to vector<1x128xf32>
    %get3A_731 = arith.constant 0 : index
    %get3A_732 = arith.constant 0 : index
    %get3A_733 = vector.load %arg4[%get3A_731, %get3A_732] : memref<64x256xf32, #tpu.memory_space<vmem>>, vector<64x256xf32>
    %dot_general3A_734 = arith.constant dense<0.000000e+00> : vector<128x64xf32>
    %dot_general3A_735 = tpu.matmul %get3A_725, %get3A_733, %dot_general3A_734 {dimension_numbers = #tpu.dot_dimension_numbers<[1], [1], [0], [0], [0, 0, 1, 0], [], []>, precision = #tpu.contract_precision<fp32>, transpose_lhs_hint = false} : vector<128x256xf32>, vector<64x256xf32>, vector<128x64xf32> -> vector<128x64xf32>
    %get3A_736 = arith.constant 0 : index
    %get3A_737 = vector.load %arg5[%get3A_736] : memref<64xf32, #tpu.memory_space<vmem>>, vector<64xf32>
    %broadcast_in_dim3A_738 = vector.shape_cast %get3A_737 : vector<64xf32> to vector<1x64xf32>
    %add3A_739 = vector.broadcast %broadcast_in_dim3A_738 : vector<1x64xf32> to vector<128x64xf32>
    %add3A_740 = arith.addf %dot_general3A_735, %add3A_739 : vector<128x64xf32>
    %get3A_741 = arith.constant 0 : index
    %get3A_742 = arith.constant 0 : index
    %get3A_743 = vector.load %arg2[%get3A_741, %get3A_742] : memref<64x256xf32, #tpu.memory_space<vmem>>, vector<64x256xf32>
    %dot_general3A_744 = arith.constant dense<0.000000e+00> : vector<256x128xf32>
    %dot_general3A_745 = tpu.matmul %get3A_743, %add3A_740, %dot_general3A_744 {dimension_numbers = #tpu.dot_dimension_numbers<[0], [1], [1], [0], [0, 1, 1, 0], [], []>, precision = #tpu.contract_precision<fp32>, transpose_lhs_hint = false} : vector<64x256xf32>, vector<128x64xf32>, vector<256x128xf32> -> vector<256x128xf32>
    %mul3A_746 = arith.constant 1.250000e-01 : f32
    %mul3A_747 = vector.broadcast %mul3A_746 : f32 to vector<1x128xf32>
    %mul3A_748 = arith.mulf %get3A_730, %mul3A_747 : vector<1x128xf32>
    %mul3A_749 = vector.broadcast %mul3A_748 : vector<1x128xf32> to vector<256x128xf32>
    %mul3A_750 = arith.mulf %dot_general3A_745, %mul3A_749 : vector<256x128xf32>
    %swap3A_751 = arith.constant 14 : index
    %swap3A_752 = arith.constant 0 : index
    %swap3A_753 = arith.constant 0 : index
    %swap3A_754 = vector.load %arg6[%swap3A_751, %swap3A_752, %swap3A_753] : memref<16x256x128xf32, #tpu.memory_space<vmem>>, vector<1x256x128xf32>
    %swap3A_755 = vector.shape_cast %swap3A_754 : vector<1x256x128xf32> to vector<256x128xf32>
    %swap3A_756 = vector.shape_cast %mul3A_750 : vector<256x128xf32> to vector<1x256x128xf32>
    tpu.vector_store %arg6[%swap3A_751, %swap3A_752, %swap3A_753], %swap3A_756 {strides = array<i32>} : memref<16x256x128xf32, #tpu.memory_space<vmem>>, vector<1x256x128xf32>,
    %get3A_757 = arith.constant 0 : index
    %get3A_758 = vector.load %arg3[%get3A_757] : memref<64xf32, #tpu.memory_space<vmem>>, vector<64xf32>
    %dot_general3A_759 = arith.constant dense<0.000000e+00> : vector<128xf32>
    %dot_general3A_760 = tpu.matmul %get3A_758, %add3A_740, %dot_general3A_759 {dimension_numbers = #tpu.dot_dimension_numbers<[0], [1], [], [0], [1, 0], [], []>, precision = #tpu.contract_precision<fp32>, transpose_lhs_hint = false} : vector<64xf32>, vector<128x64xf32>, vector<128xf32> -> vector<128xf32>
    %broadcast_in_dim3A_761 = vector.shape_cast %dot_general3A_760 : vector<128xf32> to vector<1x128xf32>
    %mul3A_762 = arith.constant 1.250000e-01 : f32
    %mul3A_763 = vector.broadcast %mul3A_762 : f32 to vector<1x128xf32>
    %mul3A_764 = arith.mulf %get3A_730, %mul3A_763 : vector<1x128xf32>
    %mul3A_765 = arith.mulf %broadcast_in_dim3A_761, %mul3A_764 : vector<1x128xf32>
    %transpose3A_766 = tpu.transpose %mul3A_765, [1, 0] : vector<1x128xf32> -> vector<128x1xf32>
    %swap3A_767 = arith.constant 14 : index
    %swap3A_768 = arith.constant 0 : index
    %swap3A_769 = arith.constant 0 : index
    %swap3A_770 = vector.load %arg7[%swap3A_767, %swap3A_768, %swap3A_769] : memref<16x128x1xf32, #tpu.memory_space<vmem>>, vector<1x128x1xf32>
    %swap3A_771 = vector.shape_cast %swap3A_770 : vector<1x128x1xf32> to vector<128x1xf32>
    %swap3A_772 = vector.shape_cast %transpose3A_766 : vector<128x1xf32> to vector<1x128x1xf32>
    tpu.vector_store %arg7[%swap3A_767, %swap3A_768, %swap3A_769], %swap3A_772 {strides = array<i32>} : memref<16x128x1xf32, #tpu.memory_space<vmem>>, vector<1x128x1xf32>,
    %get3A_773 = arith.constant 15 : index
    %get3A_774 = arith.constant 0 : index
    %get3A_775 = arith.constant 0 : index
    %get3A_776 = vector.load %arg0[%get3A_773, %get3A_774, %get3A_775] : memref<16x128x256xf32, #tpu.memory_space<vmem>>, vector<1x128x256xf32>
    %get3A_777 = vector.shape_cast %get3A_776 : vector<1x128x256xf32> to vector<128x256xf32>
    %get3A_778 = arith.constant 15 : index
    %get3A_779 = arith.constant 0 : index
    %get3A_780 = arith.constant 0 : index
    %get3A_781 = vector.load %arg1[%get3A_778, %get3A_779, %get3A_780] : memref<16x1x128xf32, #tpu.memory_space<vmem>>, vector<1x1x128xf32>
    %get3A_782 = vector.shape_cast %get3A_781 : vector<1x1x128xf32> to vector<1x128xf32>
    %get3A_783 = arith.constant 0 : index
    %get3A_784 = arith.constant 0 : index
    %get3A_785 = vector.load %arg4[%get3A_783, %get3A_784] : memref<64x256xf32, #tpu.memory_space<vmem>>, vector<64x256xf32>
    %dot_general3A_786 = arith.constant dense<0.000000e+00> : vector<128x64xf32>
    %dot_general3A_787 = tpu.matmul %get3A_777, %get3A_785, %dot_general3A_786 {dimension_numbers = #tpu.dot_dimension_numbers<[1], [1], [0], [0], [0, 0, 1, 0], [], []>, precision = #tpu.contract_precision<fp32>, transpose_lhs_hint = false} : vector<128x256xf32>, vector<64x256xf32>, vector<128x64xf32> -> vector<128x64xf32>
    %get3A_788 = arith.constant 0 : index
    %get3A_789 = vector.load %arg5[%get3A_788] : memref<64xf32, #tpu.memory_space<vmem>>, vector<64xf32>
    %broadcast_in_dim3A_790 = vector.shape_cast %get3A_789 : vector<64xf32> to vector<1x64xf32>
    %add3A_791 = vector.broadcast %broadcast_in_dim3A_790 : vector<1x64xf32> to vector<128x64xf32>
    %add3A_792 = arith.addf %dot_general3A_787, %add3A_791 : vector<128x64xf32>
    %get3A_793 = arith.constant 0 : index
    %get3A_794 = arith.constant 0 : index
    %get3A_795 = vector.load %arg2[%get3A_793, %get3A_794] : memref<64x256xf32, #tpu.memory_space<vmem>>, vector<64x256xf32>
    %dot_general3A_796 = arith.constant dense<0.000000e+00> : vector<256x128xf32>
    %dot_general3A_797 = tpu.matmul %get3A_795, %add3A_792, %dot_general3A_796 {dimension_numbers = #tpu.dot_dimension_numbers<[0], [1], [1], [0], [0, 1, 1, 0], [], []>, precision = #tpu.contract_precision<fp32>, transpose_lhs_hint = false} : vector<64x256xf32>, vector<128x64xf32>, vector<256x128xf32> -> vector<256x128xf32>
    %mul3A_798 = arith.constant 1.250000e-01 : f32
    %mul3A_799 = vector.broadcast %mul3A_798 : f32 to vector<1x128xf32>
    %mul3A_800 = arith.mulf %get3A_782, %mul3A_799 : vector<1x128xf32>
    %mul3A_801 = vector.broadcast %mul3A_800 : vector<1x128xf32> to vector<256x128xf32>
    %mul3A_802 = arith.mulf %dot_general3A_797, %mul3A_801 : vector<256x128xf32>
    %swap3A_803 = arith.constant 15 : index
    %swap3A_804 = arith.constant 0 : index
    %swap3A_805 = arith.constant 0 : index
    %swap3A_806 = vector.load %arg6[%swap3A_803, %swap3A_804, %swap3A_805] : memref<16x256x128xf32, #tpu.memory_space<vmem>>, vector<1x256x128xf32>
    %swap3A_807 = vector.shape_cast %swap3A_806 : vector<1x256x128xf32> to vector<256x128xf32>
    %swap3A_808 = vector.shape_cast %mul3A_802 : vector<256x128xf32> to vector<1x256x128xf32>
    tpu.vector_store %arg6[%swap3A_803, %swap3A_804, %swap3A_805], %swap3A_808 {strides = array<i32>} : memref<16x256x128xf32, #tpu.memory_space<vmem>>, vector<1x256x128xf32>,
    %get3A_809 = arith.constant 0 : index
    %get3A_810 = vector.load %arg3[%get3A_809] : memref<64xf32, #tpu.memory_space<vmem>>, vector<64xf32>
    %dot_general3A_811 = arith.constant dense<0.000000e+00> : vector<128xf32>
    %dot_general3A_812 = tpu.matmul %get3A_810, %add3A_792, %dot_general3A_811 {dimension_numbers = #tpu.dot_dimension_numbers<[0], [1], [], [0], [1, 0], [], []>, precision = #tpu.contract_precision<fp32>, transpose_lhs_hint = false} : vector<64xf32>, vector<128x64xf32>, vector<128xf32> -> vector<128xf32>
    %broadcast_in_dim3A_813 = vector.shape_cast %dot_general3A_812 : vector<128xf32> to vector<1x128xf32>
    %mul3A_814 = arith.constant 1.250000e-01 : f32
    %mul3A_815 = vector.broadcast %mul3A_814 : f32 to vector<1x128xf32>
    %mul3A_816 = arith.mulf %get3A_782, %mul3A_815 : vector<1x128xf32>
    %mul3A_817 = arith.mulf %broadcast_in_dim3A_813, %mul3A_816 : vector<1x128xf32>
    %transpose3A_818 = tpu.transpose %mul3A_817, [1, 0] : vector<1x128xf32> -> vector<128x1xf32>
    %swap3A_819 = arith.constant 15 : index
    %swap3A_820 = arith.constant 0 : index
    %swap3A_821 = arith.constant 0 : index
    %swap3A_822 = vector.load %arg7[%swap3A_819, %swap3A_820, %swap3A_821] : memref<16x128x1xf32, #tpu.memory_space<vmem>>, vector<1x128x1xf32>
    %swap3A_823 = vector.shape_cast %swap3A_822 : vector<1x128x1xf32> to vector<128x1xf32>
    %swap3A_824 = vector.shape_cast %transpose3A_818 : vector<128x1xf32> to vector<1x128x1xf32>
    tpu.vector_store %arg7[%swap3A_819, %swap3A_820, %swap3A_821], %swap3A_824 {strides = array<i32>} : memref<16x128x1xf32, #tpu.memory_space<vmem>>, vector<1x128x1xf32>,
    return
  }
}

module attributes {stable_mosaic.version = 14 : i64} {
  func.func @_logits_body(%arg0: i32, %arg1: i32, %arg2: memref<8x512x256xf32, #tpu.memory_space<vmem>>, %arg3: memref<8x256x128xf32, #tpu.memory_space<vmem>>, %arg4: memref<8x128x1xf32, #tpu.memory_space<vmem>>, %arg5: memref<100x8x512xf32, #tpu.memory_space<vmem>>) attributes {dimension_semantics = [#tpu.dimension_semantics<arbitrary>, #tpu.dimension_semantics<arbitrary>], iteration_bounds = array<i64: 2, 4>, scalar_prefetch = 0 : i64, scratch_operands = 0 : i64, tpu.core_type = #tpu.core_type<tc>, window_params = [{transform_indices = @transform_0, window_bounds = array<i64: 8, 512, 256>}, {transform_indices = @transform_1, window_bounds = array<i64: 8, 256, 128>}, {transform_indices = @transform_2, window_bounds = array<i64: 8, 128, 1>}, {transform_indices = @transform_3, window_bounds = array<i64: 100, 8, 512>}]} {
    %get3A = arith.constant 0 : index
    %get3A_0 = arith.constant 0 : index
    %get3A_1 = arith.constant 0 : index
    %get3A_2 = vector.load %arg3[%get3A, %get3A_0, %get3A_1] : memref<8x256x128xf32, #tpu.memory_space<vmem>>, vector<1x256x128xf32>
    %get3A_3 = vector.shape_cast %get3A_2 : vector<1x256x128xf32> to vector<256x128xf32>
    %get3A_4 = arith.constant 0 : index
    %get3A_5 = arith.constant 0 : index
    %get3A_6 = arith.constant 0 : index
    %get3A_7 = vector.load %arg2[%get3A_4, %get3A_5, %get3A_6] : memref<8x512x256xf32, #tpu.memory_space<vmem>>, vector<1x512x256xf32>
    %get3A_8 = vector.shape_cast %get3A_7 : vector<1x512x256xf32> to vector<512x256xf32>
    %dot_general3A = arith.constant dense<0.000000e+00> : vector<128x512xf32>
    %dot_general3A_9 = tpu.matmul %get3A_3, %get3A_8, %dot_general3A {dimension_numbers = #tpu.dot_dimension_numbers<[0], [1], [1], [0], [0, 1, 1, 0], [], []>, transpose_lhs_hint = false} : vector<256x128xf32>, vector<512x256xf32>, vector<128x512xf32> -> vector<128x512xf32>
    %get3A_10 = arith.constant 0 : index
    %get3A_11 = arith.constant 0 : index
    %get3A_12 = arith.constant 0 : index
    %get3A_13 = vector.load %arg4[%get3A_10, %get3A_11, %get3A_12] : memref<8x128x1xf32, #tpu.memory_space<vmem>>, vector<1x128x1xf32>
    %get3A_14 = vector.shape_cast %get3A_13 : vector<1x128x1xf32> to vector<128x1xf32>
    %add3A = vector.broadcast %get3A_14 : vector<128x1xf32> to vector<128x512xf32>
    %add3A_15 = arith.addf %dot_general3A_9, %add3A : vector<128x512xf32>
    %get3A_16 = arith.constant 1 : index
    %get3A_17 = arith.constant 0 : index
    %get3A_18 = arith.constant 0 : index
    %get3A_19 = vector.load %arg3[%get3A_16, %get3A_17, %get3A_18] : memref<8x256x128xf32, #tpu.memory_space<vmem>>, vector<1x256x128xf32>
    %get3A_20 = vector.shape_cast %get3A_19 : vector<1x256x128xf32> to vector<256x128xf32>
    %get3A_21 = arith.constant 1 : index
    %get3A_22 = arith.constant 0 : index
    %get3A_23 = arith.constant 0 : index
    %get3A_24 = vector.load %arg2[%get3A_21, %get3A_22, %get3A_23] : memref<8x512x256xf32, #tpu.memory_space<vmem>>, vector<1x512x256xf32>
    %get3A_25 = vector.shape_cast %get3A_24 : vector<1x512x256xf32> to vector<512x256xf32>
    %dot_general3A_26 = arith.constant dense<0.000000e+00> : vector<128x512xf32>
    %dot_general3A_27 = tpu.matmul %get3A_20, %get3A_25, %dot_general3A_26 {dimension_numbers = #tpu.dot_dimension_numbers<[0], [1], [1], [0], [0, 1, 1, 0], [], []>, transpose_lhs_hint = false} : vector<256x128xf32>, vector<512x256xf32>, vector<128x512xf32> -> vector<128x512xf32>
    %get3A_28 = arith.constant 1 : index
    %get3A_29 = arith.constant 0 : index
    %get3A_30 = arith.constant 0 : index
    %get3A_31 = vector.load %arg4[%get3A_28, %get3A_29, %get3A_30] : memref<8x128x1xf32, #tpu.memory_space<vmem>>, vector<1x128x1xf32>
    %get3A_32 = vector.shape_cast %get3A_31 : vector<1x128x1xf32> to vector<128x1xf32>
    %add3A_33 = vector.broadcast %get3A_32 : vector<128x1xf32> to vector<128x512xf32>
    %add3A_34 = arith.addf %dot_general3A_27, %add3A_33 : vector<128x512xf32>
    %get3A_35 = arith.constant 2 : index
    %get3A_36 = arith.constant 0 : index
    %get3A_37 = arith.constant 0 : index
    %get3A_38 = vector.load %arg3[%get3A_35, %get3A_36, %get3A_37] : memref<8x256x128xf32, #tpu.memory_space<vmem>>, vector<1x256x128xf32>
    %get3A_39 = vector.shape_cast %get3A_38 : vector<1x256x128xf32> to vector<256x128xf32>
    %get3A_40 = arith.constant 2 : index
    %get3A_41 = arith.constant 0 : index
    %get3A_42 = arith.constant 0 : index
    %get3A_43 = vector.load %arg2[%get3A_40, %get3A_41, %get3A_42] : memref<8x512x256xf32, #tpu.memory_space<vmem>>, vector<1x512x256xf32>
    %get3A_44 = vector.shape_cast %get3A_43 : vector<1x512x256xf32> to vector<512x256xf32>
    %dot_general3A_45 = arith.constant dense<0.000000e+00> : vector<128x512xf32>
    %dot_general3A_46 = tpu.matmul %get3A_39, %get3A_44, %dot_general3A_45 {dimension_numbers = #tpu.dot_dimension_numbers<[0], [1], [1], [0], [0, 1, 1, 0], [], []>, transpose_lhs_hint = false} : vector<256x128xf32>, vector<512x256xf32>, vector<128x512xf32> -> vector<128x512xf32>
    %get3A_47 = arith.constant 2 : index
    %get3A_48 = arith.constant 0 : index
    %get3A_49 = arith.constant 0 : index
    %get3A_50 = vector.load %arg4[%get3A_47, %get3A_48, %get3A_49] : memref<8x128x1xf32, #tpu.memory_space<vmem>>, vector<1x128x1xf32>
    %get3A_51 = vector.shape_cast %get3A_50 : vector<1x128x1xf32> to vector<128x1xf32>
    %add3A_52 = vector.broadcast %get3A_51 : vector<128x1xf32> to vector<128x512xf32>
    %add3A_53 = arith.addf %dot_general3A_46, %add3A_52 : vector<128x512xf32>
    %get3A_54 = arith.constant 3 : index
    %get3A_55 = arith.constant 0 : index
    %get3A_56 = arith.constant 0 : index
    %get3A_57 = vector.load %arg3[%get3A_54, %get3A_55, %get3A_56] : memref<8x256x128xf32, #tpu.memory_space<vmem>>, vector<1x256x128xf32>
    %get3A_58 = vector.shape_cast %get3A_57 : vector<1x256x128xf32> to vector<256x128xf32>
    %get3A_59 = arith.constant 3 : index
    %get3A_60 = arith.constant 0 : index
    %get3A_61 = arith.constant 0 : index
    %get3A_62 = vector.load %arg2[%get3A_59, %get3A_60, %get3A_61] : memref<8x512x256xf32, #tpu.memory_space<vmem>>, vector<1x512x256xf32>
    %get3A_63 = vector.shape_cast %get3A_62 : vector<1x512x256xf32> to vector<512x256xf32>
    %dot_general3A_64 = arith.constant dense<0.000000e+00> : vector<128x512xf32>
    %dot_general3A_65 = tpu.matmul %get3A_58, %get3A_63, %dot_general3A_64 {dimension_numbers = #tpu.dot_dimension_numbers<[0], [1], [1], [0], [0, 1, 1, 0], [], []>, transpose_lhs_hint = false} : vector<256x128xf32>, vector<512x256xf32>, vector<128x512xf32> -> vector<128x512xf32>
    %get3A_66 = arith.constant 3 : index
    %get3A_67 = arith.constant 0 : index
    %get3A_68 = arith.constant 0 : index
    %get3A_69 = vector.load %arg4[%get3A_66, %get3A_67, %get3A_68] : memref<8x128x1xf32, #tpu.memory_space<vmem>>, vector<1x128x1xf32>
    %get3A_70 = vector.shape_cast %get3A_69 : vector<1x128x1xf32> to vector<128x1xf32>
    %add3A_71 = vector.broadcast %get3A_70 : vector<128x1xf32> to vector<128x512xf32>
    %add3A_72 = arith.addf %dot_general3A_65, %add3A_71 : vector<128x512xf32>
    %get3A_73 = arith.constant 4 : index
    %get3A_74 = arith.constant 0 : index
    %get3A_75 = arith.constant 0 : index
    %get3A_76 = vector.load %arg3[%get3A_73, %get3A_74, %get3A_75] : memref<8x256x128xf32, #tpu.memory_space<vmem>>, vector<1x256x128xf32>
    %get3A_77 = vector.shape_cast %get3A_76 : vector<1x256x128xf32> to vector<256x128xf32>
    %get3A_78 = arith.constant 4 : index
    %get3A_79 = arith.constant 0 : index
    %get3A_80 = arith.constant 0 : index
    %get3A_81 = vector.load %arg2[%get3A_78, %get3A_79, %get3A_80] : memref<8x512x256xf32, #tpu.memory_space<vmem>>, vector<1x512x256xf32>
    %get3A_82 = vector.shape_cast %get3A_81 : vector<1x512x256xf32> to vector<512x256xf32>
    %dot_general3A_83 = arith.constant dense<0.000000e+00> : vector<128x512xf32>
    %dot_general3A_84 = tpu.matmul %get3A_77, %get3A_82, %dot_general3A_83 {dimension_numbers = #tpu.dot_dimension_numbers<[0], [1], [1], [0], [0, 1, 1, 0], [], []>, transpose_lhs_hint = false} : vector<256x128xf32>, vector<512x256xf32>, vector<128x512xf32> -> vector<128x512xf32>
    %get3A_85 = arith.constant 4 : index
    %get3A_86 = arith.constant 0 : index
    %get3A_87 = arith.constant 0 : index
    %get3A_88 = vector.load %arg4[%get3A_85, %get3A_86, %get3A_87] : memref<8x128x1xf32, #tpu.memory_space<vmem>>, vector<1x128x1xf32>
    %get3A_89 = vector.shape_cast %get3A_88 : vector<1x128x1xf32> to vector<128x1xf32>
    %add3A_90 = vector.broadcast %get3A_89 : vector<128x1xf32> to vector<128x512xf32>
    %add3A_91 = arith.addf %dot_general3A_84, %add3A_90 : vector<128x512xf32>
    %get3A_92 = arith.constant 5 : index
    %get3A_93 = arith.constant 0 : index
    %get3A_94 = arith.constant 0 : index
    %get3A_95 = vector.load %arg3[%get3A_92, %get3A_93, %get3A_94] : memref<8x256x128xf32, #tpu.memory_space<vmem>>, vector<1x256x128xf32>
    %get3A_96 = vector.shape_cast %get3A_95 : vector<1x256x128xf32> to vector<256x128xf32>
    %get3A_97 = arith.constant 5 : index
    %get3A_98 = arith.constant 0 : index
    %get3A_99 = arith.constant 0 : index
    %get3A_100 = vector.load %arg2[%get3A_97, %get3A_98, %get3A_99] : memref<8x512x256xf32, #tpu.memory_space<vmem>>, vector<1x512x256xf32>
    %get3A_101 = vector.shape_cast %get3A_100 : vector<1x512x256xf32> to vector<512x256xf32>
    %dot_general3A_102 = arith.constant dense<0.000000e+00> : vector<128x512xf32>
    %dot_general3A_103 = tpu.matmul %get3A_96, %get3A_101, %dot_general3A_102 {dimension_numbers = #tpu.dot_dimension_numbers<[0], [1], [1], [0], [0, 1, 1, 0], [], []>, transpose_lhs_hint = false} : vector<256x128xf32>, vector<512x256xf32>, vector<128x512xf32> -> vector<128x512xf32>
    %get3A_104 = arith.constant 5 : index
    %get3A_105 = arith.constant 0 : index
    %get3A_106 = arith.constant 0 : index
    %get3A_107 = vector.load %arg4[%get3A_104, %get3A_105, %get3A_106] : memref<8x128x1xf32, #tpu.memory_space<vmem>>, vector<1x128x1xf32>
    %get3A_108 = vector.shape_cast %get3A_107 : vector<1x128x1xf32> to vector<128x1xf32>
    %add3A_109 = vector.broadcast %get3A_108 : vector<128x1xf32> to vector<128x512xf32>
    %add3A_110 = arith.addf %dot_general3A_103, %add3A_109 : vector<128x512xf32>
    %get3A_111 = arith.constant 6 : index
    %get3A_112 = arith.constant 0 : index
    %get3A_113 = arith.constant 0 : index
    %get3A_114 = vector.load %arg3[%get3A_111, %get3A_112, %get3A_113] : memref<8x256x128xf32, #tpu.memory_space<vmem>>, vector<1x256x128xf32>
    %get3A_115 = vector.shape_cast %get3A_114 : vector<1x256x128xf32> to vector<256x128xf32>
    %get3A_116 = arith.constant 6 : index
    %get3A_117 = arith.constant 0 : index
    %get3A_118 = arith.constant 0 : index
    %get3A_119 = vector.load %arg2[%get3A_116, %get3A_117, %get3A_118] : memref<8x512x256xf32, #tpu.memory_space<vmem>>, vector<1x512x256xf32>
    %get3A_120 = vector.shape_cast %get3A_119 : vector<1x512x256xf32> to vector<512x256xf32>
    %dot_general3A_121 = arith.constant dense<0.000000e+00> : vector<128x512xf32>
    %dot_general3A_122 = tpu.matmul %get3A_115, %get3A_120, %dot_general3A_121 {dimension_numbers = #tpu.dot_dimension_numbers<[0], [1], [1], [0], [0, 1, 1, 0], [], []>, transpose_lhs_hint = false} : vector<256x128xf32>, vector<512x256xf32>, vector<128x512xf32> -> vector<128x512xf32>
    %get3A_123 = arith.constant 6 : index
    %get3A_124 = arith.constant 0 : index
    %get3A_125 = arith.constant 0 : index
    %get3A_126 = vector.load %arg4[%get3A_123, %get3A_124, %get3A_125] : memref<8x128x1xf32, #tpu.memory_space<vmem>>, vector<1x128x1xf32>
    %get3A_127 = vector.shape_cast %get3A_126 : vector<1x128x1xf32> to vector<128x1xf32>
    %add3A_128 = vector.broadcast %get3A_127 : vector<128x1xf32> to vector<128x512xf32>
    %add3A_129 = arith.addf %dot_general3A_122, %add3A_128 : vector<128x512xf32>
    %get3A_130 = arith.constant 7 : index
    %get3A_131 = arith.constant 0 : index
    %get3A_132 = arith.constant 0 : index
    %get3A_133 = vector.load %arg3[%get3A_130, %get3A_131, %get3A_132] : memref<8x256x128xf32, #tpu.memory_space<vmem>>, vector<1x256x128xf32>
    %get3A_134 = vector.shape_cast %get3A_133 : vector<1x256x128xf32> to vector<256x128xf32>
    %get3A_135 = arith.constant 7 : index
    %get3A_136 = arith.constant 0 : index
    %get3A_137 = arith.constant 0 : index
    %get3A_138 = vector.load %arg2[%get3A_135, %get3A_136, %get3A_137] : memref<8x512x256xf32, #tpu.memory_space<vmem>>, vector<1x512x256xf32>
    %get3A_139 = vector.shape_cast %get3A_138 : vector<1x512x256xf32> to vector<512x256xf32>
    %dot_general3A_140 = arith.constant dense<0.000000e+00> : vector<128x512xf32>
    %dot_general3A_141 = tpu.matmul %get3A_134, %get3A_139, %dot_general3A_140 {dimension_numbers = #tpu.dot_dimension_numbers<[0], [1], [1], [0], [0, 1, 1, 0], [], []>, transpose_lhs_hint = false} : vector<256x128xf32>, vector<512x256xf32>, vector<128x512xf32> -> vector<128x512xf32>
    %get3A_142 = arith.constant 7 : index
    %get3A_143 = arith.constant 0 : index
    %get3A_144 = arith.constant 0 : index
    %get3A_145 = vector.load %arg4[%get3A_142, %get3A_143, %get3A_144] : memref<8x128x1xf32, #tpu.memory_space<vmem>>, vector<1x128x1xf32>
    %get3A_146 = vector.shape_cast %get3A_145 : vector<1x128x1xf32> to vector<128x1xf32>
    %add3A_147 = vector.broadcast %get3A_146 : vector<128x1xf32> to vector<128x512xf32>
    %add3A_148 = arith.addf %dot_general3A_141, %add3A_147 : vector<128x512xf32>
    %stack3A = vector.shape_cast %add3A_15 : vector<128x512xf32> to vector<1x128x512xf32>
    %stack3A_149 = vector.shape_cast %add3A_34 : vector<128x512xf32> to vector<1x128x512xf32>
    %stack3A_150 = vector.shape_cast %add3A_53 : vector<128x512xf32> to vector<1x128x512xf32>
    %stack3A_151 = vector.shape_cast %add3A_72 : vector<128x512xf32> to vector<1x128x512xf32>
    %stack3A_152 = vector.shape_cast %add3A_91 : vector<128x512xf32> to vector<1x128x512xf32>
    %stack3A_153 = vector.shape_cast %add3A_110 : vector<128x512xf32> to vector<1x128x512xf32>
    %stack3A_154 = vector.shape_cast %add3A_129 : vector<128x512xf32> to vector<1x128x512xf32>
    %stack3A_155 = vector.shape_cast %add3A_148 : vector<128x512xf32> to vector<1x128x512xf32>
    %stack3A_156 = tpu.concatenate %stack3A, %stack3A_149, %stack3A_150, %stack3A_151, %stack3A_152, %stack3A_153, %stack3A_154, %stack3A_155 in 0 : vector<1x128x512xf32>, vector<1x128x512xf32>, vector<1x128x512xf32>, vector<1x128x512xf32>, vector<1x128x512xf32>, vector<1x128x512xf32>, vector<1x128x512xf32>, vector<1x128x512xf32> -> vector<8x128x512xf32>
    %transpose3A = tpu.transpose %stack3A_156, [1, 0, 2] : vector<8x128x512xf32> -> vector<128x8x512xf32>
    %slice3A = vector.extract_strided_slice %transpose3A {offsets = [0, 0, 0], sizes = [100, 8, 512], strides = [1, 1, 1]} : vector<128x8x512xf32> to vector<100x8x512xf32>
    %swap3A = arith.constant 0 : index
    %swap3A_157 = arith.constant 0 : index
    %swap3A_158 = arith.constant 0 : index
    %swap3A_159 = vector.load %arg5[%swap3A, %swap3A_157, %swap3A_158] : memref<100x8x512xf32, #tpu.memory_space<vmem>>, vector<100x8x512xf32>
    tpu.vector_store %arg5[%swap3A, %swap3A_157, %swap3A_158], %slice3A {strides = array<i32>} : memref<100x8x512xf32, #tpu.memory_space<vmem>>, vector<100x8x512xf32>,
    return
  }
  func.func @transform_0(%arg0: i32, %arg1: i32) -> (i32, i32, i32) {
    %c0_i32 = arith.constant 0 : i32
    %c0_i32_0 = arith.constant 0 : i32
    return %arg0, %arg1, %c0_i32 : i32, i32, i32
  }
  func.func @transform_1(%arg0: i32, %arg1: i32) -> (i32, i32, i32) {
    %c0_i32 = arith.constant 0 : i32
    %c0_i32_0 = arith.constant 0 : i32
    %c0_i32_1 = arith.constant 0 : i32
    return %arg0, %c0_i32, %c0_i32_0 : i32, i32, i32
  }
  func.func @transform_2(%arg0: i32, %arg1: i32) -> (i32, i32, i32) {
    %c0_i32 = arith.constant 0 : i32
    %c0_i32_0 = arith.constant 0 : i32
    %c0_i32_1 = arith.constant 0 : i32
    return %arg0, %c0_i32, %c0_i32_0 : i32, i32, i32
  }
  func.func @transform_3(%arg0: i32, %arg1: i32) -> (i32, i32, i32) {
    %c0_i32 = arith.constant 0 : i32
    %c0_i32_0 = arith.constant 0 : i32
    return %c0_i32, %arg0, %arg1 : i32, i32, i32
  }
}

module attributes {stable_mosaic.version = 14 : i64} {
  func.func @_winner_body(%arg0: memref<16x2048xi32, #tpu.memory_space<vmem>>, %arg1: memref<16x128xi32, #tpu.memory_space<vmem>>, %arg2: memref<16x1x128xf32, #tpu.memory_space<vmem>>) attributes {dimension_semantics = [], scalar_prefetch = 0 : i64, scratch_operands = 0 : i64, tpu.core_type = #tpu.core_type<tc>} {
    %get3A = arith.constant 0 : index
    %get3A_0 = arith.constant 0 : index
    %get3A_1 = vector.load %arg0[%get3A, %get3A_0] : memref<16x2048xi32, #tpu.memory_space<vmem>>, vector<1x2048xi32>
    %get3A_2 = vector.shape_cast %get3A_1 : vector<1x2048xi32> to vector<2048xi32>
    %ge3A = arith.constant 4 : i32
    %ge3A_3 = vector.broadcast %ge3A : i32 to vector<2048xi32>
    %ge3A_4 = arith.cmpi sge, %get3A_2, %ge3A_3 : vector<2048xi32>
    %le3A = arith.constant 103 : i32
    %le3A_5 = vector.broadcast %le3A : i32 to vector<2048xi32>
    %le3A_6 = arith.cmpi sle, %get3A_2, %le3A_5 : vector<2048xi32>
    %and3A = arith.andi %ge3A_4, %le3A_6 : vector<2048xi1>
    %sub3A = arith.constant 4 : i32
    %sub3A_7 = vector.broadcast %sub3A : i32 to vector<2048xi32>
    %sub3A_8 = arith.subi %get3A_2, %sub3A_7 : vector<2048xi32>
    %jit3A = arith.constant -1 : i32
    %broadcast_in_dim3A = vector.broadcast %jit3A : i32 to vector<2048xi32>
    %select_n3A = arith.select %and3A, %sub3A_8, %broadcast_in_dim3A : vector<2048xi1>, vector<2048xi32>
    %broadcast_in_dim3A_9 = vector.shape_cast %select_n3A : vector<2048xi32> to vector<1x2048xi32>
    %broadcast_in_dim3A_10 = vector.shape_cast %broadcast_in_dim3A_9 : vector<1x2048xi32> to vector<1x2048xi32>
    %broadcast_in_dim3A_11 = vector.broadcast %broadcast_in_dim3A_10 : vector<1x2048xi32> to vector<128x2048xi32>
    %iota3A = tpu.iota {dimensions = array<i32: 0>} : vector<128x2048xi32>
    %iota3A_12 = tpu.iota {dimensions = array<i32: 1>} : vector<128x2048xi32>
    %eq3A = arith.cmpi eq, %broadcast_in_dim3A_11, %iota3A : vector<128x2048xi32>
    %jit3A_13 = arith.constant -1 : i32
    %broadcast_in_dim3A_14 = vector.broadcast %jit3A_13 : i32 to vector<128x2048xi32>
    %select_n3A_15 = arith.select %eq3A, %iota3A_12, %broadcast_in_dim3A_14 : vector<128x2048xi1>, vector<128x2048xi32>
    %reduce_max3A = arith.constant dense<-2147483648> : vector<128xi32>
    %reduce_max3A_16 = vector.multi_reduction <maxsi>, %select_n3A_15, %reduce_max3A [1] : vector<128x2048xi32> to vector<128xi32>
    %max3A = arith.constant 0 : i32
    %max3A_17 = vector.broadcast %max3A : i32 to vector<128xi32>
    %max3A_18 = arith.maxsi %reduce_max3A_16, %max3A_17 : vector<128xi32>
    %add3A = arith.constant 0 : i32
    %add3A_19 = vector.broadcast %add3A : i32 to vector<128xi32>
    %add3A_20 = arith.addi %max3A_18, %add3A_19 : vector<128xi32>
    %swap3A = arith.constant 0 : index
    %swap3A_21 = arith.constant 0 : index
    %swap3A_22 = vector.load %arg1[%swap3A, %swap3A_21] : memref<16x128xi32, #tpu.memory_space<vmem>>, vector<1x128xi32>
    %swap3A_23 = vector.shape_cast %swap3A_22 : vector<1x128xi32> to vector<128xi32>
    %swap3A_24 = vector.shape_cast %add3A_20 : vector<128xi32> to vector<1x128xi32>
    tpu.vector_store %arg1[%swap3A, %swap3A_21], %swap3A_24 {strides = array<i32>} : memref<16x128xi32, #tpu.memory_space<vmem>>, vector<1x128xi32>,
    %ge3A_25 = arith.constant 0 : i32
    %ge3A_26 = vector.broadcast %ge3A_25 : i32 to vector<128xi32>
    %ge3A_27 = arith.cmpi sge, %reduce_max3A_16, %ge3A_26 : vector<128xi32>
    %convert_element_type3A = arith.extui %ge3A_27 : vector<128xi1> to vector<128xi32>
    %convert_element_type3A_28 = arith.sitofp %convert_element_type3A : vector<128xi32> to vector<128xf32>
    %swap3A_29 = arith.constant 0 : index
    %swap3A_30 = arith.constant 0 : index
    %swap3A_31 = arith.constant 0 : index
    %swap3A_32 = vector.load %arg2[%swap3A_29, %swap3A_30, %swap3A_31] : memref<16x1x128xf32, #tpu.memory_space<vmem>>, vector<1x1x128xf32>
    %swap3A_33 = vector.shape_cast %swap3A_32 : vector<1x1x128xf32> to vector<128xf32>
    %swap3A_34 = vector.shape_cast %convert_element_type3A_28 : vector<128xf32> to vector<1x1x128xf32>
    tpu.vector_store %arg2[%swap3A_29, %swap3A_30, %swap3A_31], %swap3A_34 {strides = array<i32>} : memref<16x1x128xf32, #tpu.memory_space<vmem>>, vector<1x1x128xf32>,
    %get3A_35 = arith.constant 1 : index
    %get3A_36 = arith.constant 0 : index
    %get3A_37 = vector.load %arg0[%get3A_35, %get3A_36] : memref<16x2048xi32, #tpu.memory_space<vmem>>, vector<1x2048xi32>
    %get3A_38 = vector.shape_cast %get3A_37 : vector<1x2048xi32> to vector<2048xi32>
    %ge3A_39 = arith.constant 4 : i32
    %ge3A_40 = vector.broadcast %ge3A_39 : i32 to vector<2048xi32>
    %ge3A_41 = arith.cmpi sge, %get3A_38, %ge3A_40 : vector<2048xi32>
    %le3A_42 = arith.constant 103 : i32
    %le3A_43 = vector.broadcast %le3A_42 : i32 to vector<2048xi32>
    %le3A_44 = arith.cmpi sle, %get3A_38, %le3A_43 : vector<2048xi32>
    %and3A_45 = arith.andi %ge3A_41, %le3A_44 : vector<2048xi1>
    %sub3A_46 = arith.constant 4 : i32
    %sub3A_47 = vector.broadcast %sub3A_46 : i32 to vector<2048xi32>
    %sub3A_48 = arith.subi %get3A_38, %sub3A_47 : vector<2048xi32>
    %jit3A_49 = arith.constant -1 : i32
    %broadcast_in_dim3A_50 = vector.broadcast %jit3A_49 : i32 to vector<2048xi32>
    %select_n3A_51 = arith.select %and3A_45, %sub3A_48, %broadcast_in_dim3A_50 : vector<2048xi1>, vector<2048xi32>
    %broadcast_in_dim3A_52 = vector.shape_cast %select_n3A_51 : vector<2048xi32> to vector<1x2048xi32>
    %broadcast_in_dim3A_53 = vector.shape_cast %broadcast_in_dim3A_52 : vector<1x2048xi32> to vector<1x2048xi32>
    %broadcast_in_dim3A_54 = vector.broadcast %broadcast_in_dim3A_53 : vector<1x2048xi32> to vector<128x2048xi32>
    %iota3A_55 = tpu.iota {dimensions = array<i32: 0>} : vector<128x2048xi32>
    %iota3A_56 = tpu.iota {dimensions = array<i32: 1>} : vector<128x2048xi32>
    %eq3A_57 = arith.cmpi eq, %broadcast_in_dim3A_54, %iota3A_55 : vector<128x2048xi32>
    %jit3A_58 = arith.constant -1 : i32
    %broadcast_in_dim3A_59 = vector.broadcast %jit3A_58 : i32 to vector<128x2048xi32>
    %select_n3A_60 = arith.select %eq3A_57, %iota3A_56, %broadcast_in_dim3A_59 : vector<128x2048xi1>, vector<128x2048xi32>
    %reduce_max3A_61 = arith.constant dense<-2147483648> : vector<128xi32>
    %reduce_max3A_62 = vector.multi_reduction <maxsi>, %select_n3A_60, %reduce_max3A_61 [1] : vector<128x2048xi32> to vector<128xi32>
    %max3A_63 = arith.constant 0 : i32
    %max3A_64 = vector.broadcast %max3A_63 : i32 to vector<128xi32>
    %max3A_65 = arith.maxsi %reduce_max3A_62, %max3A_64 : vector<128xi32>
    %add3A_66 = arith.constant 2048 : i32
    %add3A_67 = vector.broadcast %add3A_66 : i32 to vector<128xi32>
    %add3A_68 = arith.addi %max3A_65, %add3A_67 : vector<128xi32>
    %swap3A_69 = arith.constant 1 : index
    %swap3A_70 = arith.constant 0 : index
    %swap3A_71 = vector.load %arg1[%swap3A_69, %swap3A_70] : memref<16x128xi32, #tpu.memory_space<vmem>>, vector<1x128xi32>
    %swap3A_72 = vector.shape_cast %swap3A_71 : vector<1x128xi32> to vector<128xi32>
    %swap3A_73 = vector.shape_cast %add3A_68 : vector<128xi32> to vector<1x128xi32>
    tpu.vector_store %arg1[%swap3A_69, %swap3A_70], %swap3A_73 {strides = array<i32>} : memref<16x128xi32, #tpu.memory_space<vmem>>, vector<1x128xi32>,
    %ge3A_74 = arith.constant 0 : i32
    %ge3A_75 = vector.broadcast %ge3A_74 : i32 to vector<128xi32>
    %ge3A_76 = arith.cmpi sge, %reduce_max3A_62, %ge3A_75 : vector<128xi32>
    %convert_element_type3A_77 = arith.extui %ge3A_76 : vector<128xi1> to vector<128xi32>
    %convert_element_type3A_78 = arith.sitofp %convert_element_type3A_77 : vector<128xi32> to vector<128xf32>
    %swap3A_79 = arith.constant 1 : index
    %swap3A_80 = arith.constant 0 : index
    %swap3A_81 = arith.constant 0 : index
    %swap3A_82 = vector.load %arg2[%swap3A_79, %swap3A_80, %swap3A_81] : memref<16x1x128xf32, #tpu.memory_space<vmem>>, vector<1x1x128xf32>
    %swap3A_83 = vector.shape_cast %swap3A_82 : vector<1x1x128xf32> to vector<128xf32>
    %swap3A_84 = vector.shape_cast %convert_element_type3A_78 : vector<128xf32> to vector<1x1x128xf32>
    tpu.vector_store %arg2[%swap3A_79, %swap3A_80, %swap3A_81], %swap3A_84 {strides = array<i32>} : memref<16x1x128xf32, #tpu.memory_space<vmem>>, vector<1x1x128xf32>,
    %get3A_85 = arith.constant 2 : index
    %get3A_86 = arith.constant 0 : index
    %get3A_87 = vector.load %arg0[%get3A_85, %get3A_86] : memref<16x2048xi32, #tpu.memory_space<vmem>>, vector<1x2048xi32>
    %get3A_88 = vector.shape_cast %get3A_87 : vector<1x2048xi32> to vector<2048xi32>
    %ge3A_89 = arith.constant 4 : i32
    %ge3A_90 = vector.broadcast %ge3A_89 : i32 to vector<2048xi32>
    %ge3A_91 = arith.cmpi sge, %get3A_88, %ge3A_90 : vector<2048xi32>
    %le3A_92 = arith.constant 103 : i32
    %le3A_93 = vector.broadcast %le3A_92 : i32 to vector<2048xi32>
    %le3A_94 = arith.cmpi sle, %get3A_88, %le3A_93 : vector<2048xi32>
    %and3A_95 = arith.andi %ge3A_91, %le3A_94 : vector<2048xi1>
    %sub3A_96 = arith.constant 4 : i32
    %sub3A_97 = vector.broadcast %sub3A_96 : i32 to vector<2048xi32>
    %sub3A_98 = arith.subi %get3A_88, %sub3A_97 : vector<2048xi32>
    %jit3A_99 = arith.constant -1 : i32
    %broadcast_in_dim3A_100 = vector.broadcast %jit3A_99 : i32 to vector<2048xi32>
    %select_n3A_101 = arith.select %and3A_95, %sub3A_98, %broadcast_in_dim3A_100 : vector<2048xi1>, vector<2048xi32>
    %broadcast_in_dim3A_102 = vector.shape_cast %select_n3A_101 : vector<2048xi32> to vector<1x2048xi32>
    %broadcast_in_dim3A_103 = vector.shape_cast %broadcast_in_dim3A_102 : vector<1x2048xi32> to vector<1x2048xi32>
    %broadcast_in_dim3A_104 = vector.broadcast %broadcast_in_dim3A_103 : vector<1x2048xi32> to vector<128x2048xi32>
    %iota3A_105 = tpu.iota {dimensions = array<i32: 0>} : vector<128x2048xi32>
    %iota3A_106 = tpu.iota {dimensions = array<i32: 1>} : vector<128x2048xi32>
    %eq3A_107 = arith.cmpi eq, %broadcast_in_dim3A_104, %iota3A_105 : vector<128x2048xi32>
    %jit3A_108 = arith.constant -1 : i32
    %broadcast_in_dim3A_109 = vector.broadcast %jit3A_108 : i32 to vector<128x2048xi32>
    %select_n3A_110 = arith.select %eq3A_107, %iota3A_106, %broadcast_in_dim3A_109 : vector<128x2048xi1>, vector<128x2048xi32>
    %reduce_max3A_111 = arith.constant dense<-2147483648> : vector<128xi32>
    %reduce_max3A_112 = vector.multi_reduction <maxsi>, %select_n3A_110, %reduce_max3A_111 [1] : vector<128x2048xi32> to vector<128xi32>
    %max3A_113 = arith.constant 0 : i32
    %max3A_114 = vector.broadcast %max3A_113 : i32 to vector<128xi32>
    %max3A_115 = arith.maxsi %reduce_max3A_112, %max3A_114 : vector<128xi32>
    %add3A_116 = arith.constant 4096 : i32
    %add3A_117 = vector.broadcast %add3A_116 : i32 to vector<128xi32>
    %add3A_118 = arith.addi %max3A_115, %add3A_117 : vector<128xi32>
    %swap3A_119 = arith.constant 2 : index
    %swap3A_120 = arith.constant 0 : index
    %swap3A_121 = vector.load %arg1[%swap3A_119, %swap3A_120] : memref<16x128xi32, #tpu.memory_space<vmem>>, vector<1x128xi32>
    %swap3A_122 = vector.shape_cast %swap3A_121 : vector<1x128xi32> to vector<128xi32>
    %swap3A_123 = vector.shape_cast %add3A_118 : vector<128xi32> to vector<1x128xi32>
    tpu.vector_store %arg1[%swap3A_119, %swap3A_120], %swap3A_123 {strides = array<i32>} : memref<16x128xi32, #tpu.memory_space<vmem>>, vector<1x128xi32>,
    %ge3A_124 = arith.constant 0 : i32
    %ge3A_125 = vector.broadcast %ge3A_124 : i32 to vector<128xi32>
    %ge3A_126 = arith.cmpi sge, %reduce_max3A_112, %ge3A_125 : vector<128xi32>
    %convert_element_type3A_127 = arith.extui %ge3A_126 : vector<128xi1> to vector<128xi32>
    %convert_element_type3A_128 = arith.sitofp %convert_element_type3A_127 : vector<128xi32> to vector<128xf32>
    %swap3A_129 = arith.constant 2 : index
    %swap3A_130 = arith.constant 0 : index
    %swap3A_131 = arith.constant 0 : index
    %swap3A_132 = vector.load %arg2[%swap3A_129, %swap3A_130, %swap3A_131] : memref<16x1x128xf32, #tpu.memory_space<vmem>>, vector<1x1x128xf32>
    %swap3A_133 = vector.shape_cast %swap3A_132 : vector<1x1x128xf32> to vector<128xf32>
    %swap3A_134 = vector.shape_cast %convert_element_type3A_128 : vector<128xf32> to vector<1x1x128xf32>
    tpu.vector_store %arg2[%swap3A_129, %swap3A_130, %swap3A_131], %swap3A_134 {strides = array<i32>} : memref<16x1x128xf32, #tpu.memory_space<vmem>>, vector<1x1x128xf32>,
    %get3A_135 = arith.constant 3 : index
    %get3A_136 = arith.constant 0 : index
    %get3A_137 = vector.load %arg0[%get3A_135, %get3A_136] : memref<16x2048xi32, #tpu.memory_space<vmem>>, vector<1x2048xi32>
    %get3A_138 = vector.shape_cast %get3A_137 : vector<1x2048xi32> to vector<2048xi32>
    %ge3A_139 = arith.constant 4 : i32
    %ge3A_140 = vector.broadcast %ge3A_139 : i32 to vector<2048xi32>
    %ge3A_141 = arith.cmpi sge, %get3A_138, %ge3A_140 : vector<2048xi32>
    %le3A_142 = arith.constant 103 : i32
    %le3A_143 = vector.broadcast %le3A_142 : i32 to vector<2048xi32>
    %le3A_144 = arith.cmpi sle, %get3A_138, %le3A_143 : vector<2048xi32>
    %and3A_145 = arith.andi %ge3A_141, %le3A_144 : vector<2048xi1>
    %sub3A_146 = arith.constant 4 : i32
    %sub3A_147 = vector.broadcast %sub3A_146 : i32 to vector<2048xi32>
    %sub3A_148 = arith.subi %get3A_138, %sub3A_147 : vector<2048xi32>
    %jit3A_149 = arith.constant -1 : i32
    %broadcast_in_dim3A_150 = vector.broadcast %jit3A_149 : i32 to vector<2048xi32>
    %select_n3A_151 = arith.select %and3A_145, %sub3A_148, %broadcast_in_dim3A_150 : vector<2048xi1>, vector<2048xi32>
    %broadcast_in_dim3A_152 = vector.shape_cast %select_n3A_151 : vector<2048xi32> to vector<1x2048xi32>
    %broadcast_in_dim3A_153 = vector.shape_cast %broadcast_in_dim3A_152 : vector<1x2048xi32> to vector<1x2048xi32>
    %broadcast_in_dim3A_154 = vector.broadcast %broadcast_in_dim3A_153 : vector<1x2048xi32> to vector<128x2048xi32>
    %iota3A_155 = tpu.iota {dimensions = array<i32: 0>} : vector<128x2048xi32>
    %iota3A_156 = tpu.iota {dimensions = array<i32: 1>} : vector<128x2048xi32>
    %eq3A_157 = arith.cmpi eq, %broadcast_in_dim3A_154, %iota3A_155 : vector<128x2048xi32>
    %jit3A_158 = arith.constant -1 : i32
    %broadcast_in_dim3A_159 = vector.broadcast %jit3A_158 : i32 to vector<128x2048xi32>
    %select_n3A_160 = arith.select %eq3A_157, %iota3A_156, %broadcast_in_dim3A_159 : vector<128x2048xi1>, vector<128x2048xi32>
    %reduce_max3A_161 = arith.constant dense<-2147483648> : vector<128xi32>
    %reduce_max3A_162 = vector.multi_reduction <maxsi>, %select_n3A_160, %reduce_max3A_161 [1] : vector<128x2048xi32> to vector<128xi32>
    %max3A_163 = arith.constant 0 : i32
    %max3A_164 = vector.broadcast %max3A_163 : i32 to vector<128xi32>
    %max3A_165 = arith.maxsi %reduce_max3A_162, %max3A_164 : vector<128xi32>
    %add3A_166 = arith.constant 6144 : i32
    %add3A_167 = vector.broadcast %add3A_166 : i32 to vector<128xi32>
    %add3A_168 = arith.addi %max3A_165, %add3A_167 : vector<128xi32>
    %swap3A_169 = arith.constant 3 : index
    %swap3A_170 = arith.constant 0 : index
    %swap3A_171 = vector.load %arg1[%swap3A_169, %swap3A_170] : memref<16x128xi32, #tpu.memory_space<vmem>>, vector<1x128xi32>
    %swap3A_172 = vector.shape_cast %swap3A_171 : vector<1x128xi32> to vector<128xi32>
    %swap3A_173 = vector.shape_cast %add3A_168 : vector<128xi32> to vector<1x128xi32>
    tpu.vector_store %arg1[%swap3A_169, %swap3A_170], %swap3A_173 {strides = array<i32>} : memref<16x128xi32, #tpu.memory_space<vmem>>, vector<1x128xi32>,
    %ge3A_174 = arith.constant 0 : i32
    %ge3A_175 = vector.broadcast %ge3A_174 : i32 to vector<128xi32>
    %ge3A_176 = arith.cmpi sge, %reduce_max3A_162, %ge3A_175 : vector<128xi32>
    %convert_element_type3A_177 = arith.extui %ge3A_176 : vector<128xi1> to vector<128xi32>
    %convert_element_type3A_178 = arith.sitofp %convert_element_type3A_177 : vector<128xi32> to vector<128xf32>
    %swap3A_179 = arith.constant 3 : index
    %swap3A_180 = arith.constant 0 : index
    %swap3A_181 = arith.constant 0 : index
    %swap3A_182 = vector.load %arg2[%swap3A_179, %swap3A_180, %swap3A_181] : memref<16x1x128xf32, #tpu.memory_space<vmem>>, vector<1x1x128xf32>
    %swap3A_183 = vector.shape_cast %swap3A_182 : vector<1x1x128xf32> to vector<128xf32>
    %swap3A_184 = vector.shape_cast %convert_element_type3A_178 : vector<128xf32> to vector<1x1x128xf32>
    tpu.vector_store %arg2[%swap3A_179, %swap3A_180, %swap3A_181], %swap3A_184 {strides = array<i32>} : memref<16x1x128xf32, #tpu.memory_space<vmem>>, vector<1x1x128xf32>,
    %get3A_185 = arith.constant 4 : index
    %get3A_186 = arith.constant 0 : index
    %get3A_187 = vector.load %arg0[%get3A_185, %get3A_186] : memref<16x2048xi32, #tpu.memory_space<vmem>>, vector<1x2048xi32>
    %get3A_188 = vector.shape_cast %get3A_187 : vector<1x2048xi32> to vector<2048xi32>
    %ge3A_189 = arith.constant 4 : i32
    %ge3A_190 = vector.broadcast %ge3A_189 : i32 to vector<2048xi32>
    %ge3A_191 = arith.cmpi sge, %get3A_188, %ge3A_190 : vector<2048xi32>
    %le3A_192 = arith.constant 103 : i32
    %le3A_193 = vector.broadcast %le3A_192 : i32 to vector<2048xi32>
    %le3A_194 = arith.cmpi sle, %get3A_188, %le3A_193 : vector<2048xi32>
    %and3A_195 = arith.andi %ge3A_191, %le3A_194 : vector<2048xi1>
    %sub3A_196 = arith.constant 4 : i32
    %sub3A_197 = vector.broadcast %sub3A_196 : i32 to vector<2048xi32>
    %sub3A_198 = arith.subi %get3A_188, %sub3A_197 : vector<2048xi32>
    %jit3A_199 = arith.constant -1 : i32
    %broadcast_in_dim3A_200 = vector.broadcast %jit3A_199 : i32 to vector<2048xi32>
    %select_n3A_201 = arith.select %and3A_195, %sub3A_198, %broadcast_in_dim3A_200 : vector<2048xi1>, vector<2048xi32>
    %broadcast_in_dim3A_202 = vector.shape_cast %select_n3A_201 : vector<2048xi32> to vector<1x2048xi32>
    %broadcast_in_dim3A_203 = vector.shape_cast %broadcast_in_dim3A_202 : vector<1x2048xi32> to vector<1x2048xi32>
    %broadcast_in_dim3A_204 = vector.broadcast %broadcast_in_dim3A_203 : vector<1x2048xi32> to vector<128x2048xi32>
    %iota3A_205 = tpu.iota {dimensions = array<i32: 0>} : vector<128x2048xi32>
    %iota3A_206 = tpu.iota {dimensions = array<i32: 1>} : vector<128x2048xi32>
    %eq3A_207 = arith.cmpi eq, %broadcast_in_dim3A_204, %iota3A_205 : vector<128x2048xi32>
    %jit3A_208 = arith.constant -1 : i32
    %broadcast_in_dim3A_209 = vector.broadcast %jit3A_208 : i32 to vector<128x2048xi32>
    %select_n3A_210 = arith.select %eq3A_207, %iota3A_206, %broadcast_in_dim3A_209 : vector<128x2048xi1>, vector<128x2048xi32>
    %reduce_max3A_211 = arith.constant dense<-2147483648> : vector<128xi32>
    %reduce_max3A_212 = vector.multi_reduction <maxsi>, %select_n3A_210, %reduce_max3A_211 [1] : vector<128x2048xi32> to vector<128xi32>
    %max3A_213 = arith.constant 0 : i32
    %max3A_214 = vector.broadcast %max3A_213 : i32 to vector<128xi32>
    %max3A_215 = arith.maxsi %reduce_max3A_212, %max3A_214 : vector<128xi32>
    %add3A_216 = arith.constant 8192 : i32
    %add3A_217 = vector.broadcast %add3A_216 : i32 to vector<128xi32>
    %add3A_218 = arith.addi %max3A_215, %add3A_217 : vector<128xi32>
    %swap3A_219 = arith.constant 4 : index
    %swap3A_220 = arith.constant 0 : index
    %swap3A_221 = vector.load %arg1[%swap3A_219, %swap3A_220] : memref<16x128xi32, #tpu.memory_space<vmem>>, vector<1x128xi32>
    %swap3A_222 = vector.shape_cast %swap3A_221 : vector<1x128xi32> to vector<128xi32>
    %swap3A_223 = vector.shape_cast %add3A_218 : vector<128xi32> to vector<1x128xi32>
    tpu.vector_store %arg1[%swap3A_219, %swap3A_220], %swap3A_223 {strides = array<i32>} : memref<16x128xi32, #tpu.memory_space<vmem>>, vector<1x128xi32>,
    %ge3A_224 = arith.constant 0 : i32
    %ge3A_225 = vector.broadcast %ge3A_224 : i32 to vector<128xi32>
    %ge3A_226 = arith.cmpi sge, %reduce_max3A_212, %ge3A_225 : vector<128xi32>
    %convert_element_type3A_227 = arith.extui %ge3A_226 : vector<128xi1> to vector<128xi32>
    %convert_element_type3A_228 = arith.sitofp %convert_element_type3A_227 : vector<128xi32> to vector<128xf32>
    %swap3A_229 = arith.constant 4 : index
    %swap3A_230 = arith.constant 0 : index
    %swap3A_231 = arith.constant 0 : index
    %swap3A_232 = vector.load %arg2[%swap3A_229, %swap3A_230, %swap3A_231] : memref<16x1x128xf32, #tpu.memory_space<vmem>>, vector<1x1x128xf32>
    %swap3A_233 = vector.shape_cast %swap3A_232 : vector<1x1x128xf32> to vector<128xf32>
    %swap3A_234 = vector.shape_cast %convert_element_type3A_228 : vector<128xf32> to vector<1x1x128xf32>
    tpu.vector_store %arg2[%swap3A_229, %swap3A_230, %swap3A_231], %swap3A_234 {strides = array<i32>} : memref<16x1x128xf32, #tpu.memory_space<vmem>>, vector<1x1x128xf32>,
    %get3A_235 = arith.constant 5 : index
    %get3A_236 = arith.constant 0 : index
    %get3A_237 = vector.load %arg0[%get3A_235, %get3A_236] : memref<16x2048xi32, #tpu.memory_space<vmem>>, vector<1x2048xi32>
    %get3A_238 = vector.shape_cast %get3A_237 : vector<1x2048xi32> to vector<2048xi32>
    %ge3A_239 = arith.constant 4 : i32
    %ge3A_240 = vector.broadcast %ge3A_239 : i32 to vector<2048xi32>
    %ge3A_241 = arith.cmpi sge, %get3A_238, %ge3A_240 : vector<2048xi32>
    %le3A_242 = arith.constant 103 : i32
    %le3A_243 = vector.broadcast %le3A_242 : i32 to vector<2048xi32>
    %le3A_244 = arith.cmpi sle, %get3A_238, %le3A_243 : vector<2048xi32>
    %and3A_245 = arith.andi %ge3A_241, %le3A_244 : vector<2048xi1>
    %sub3A_246 = arith.constant 4 : i32
    %sub3A_247 = vector.broadcast %sub3A_246 : i32 to vector<2048xi32>
    %sub3A_248 = arith.subi %get3A_238, %sub3A_247 : vector<2048xi32>
    %jit3A_249 = arith.constant -1 : i32
    %broadcast_in_dim3A_250 = vector.broadcast %jit3A_249 : i32 to vector<2048xi32>
    %select_n3A_251 = arith.select %and3A_245, %sub3A_248, %broadcast_in_dim3A_250 : vector<2048xi1>, vector<2048xi32>
    %broadcast_in_dim3A_252 = vector.shape_cast %select_n3A_251 : vector<2048xi32> to vector<1x2048xi32>
    %broadcast_in_dim3A_253 = vector.shape_cast %broadcast_in_dim3A_252 : vector<1x2048xi32> to vector<1x2048xi32>
    %broadcast_in_dim3A_254 = vector.broadcast %broadcast_in_dim3A_253 : vector<1x2048xi32> to vector<128x2048xi32>
    %iota3A_255 = tpu.iota {dimensions = array<i32: 0>} : vector<128x2048xi32>
    %iota3A_256 = tpu.iota {dimensions = array<i32: 1>} : vector<128x2048xi32>
    %eq3A_257 = arith.cmpi eq, %broadcast_in_dim3A_254, %iota3A_255 : vector<128x2048xi32>
    %jit3A_258 = arith.constant -1 : i32
    %broadcast_in_dim3A_259 = vector.broadcast %jit3A_258 : i32 to vector<128x2048xi32>
    %select_n3A_260 = arith.select %eq3A_257, %iota3A_256, %broadcast_in_dim3A_259 : vector<128x2048xi1>, vector<128x2048xi32>
    %reduce_max3A_261 = arith.constant dense<-2147483648> : vector<128xi32>
    %reduce_max3A_262 = vector.multi_reduction <maxsi>, %select_n3A_260, %reduce_max3A_261 [1] : vector<128x2048xi32> to vector<128xi32>
    %max3A_263 = arith.constant 0 : i32
    %max3A_264 = vector.broadcast %max3A_263 : i32 to vector<128xi32>
    %max3A_265 = arith.maxsi %reduce_max3A_262, %max3A_264 : vector<128xi32>
    %add3A_266 = arith.constant 10240 : i32
    %add3A_267 = vector.broadcast %add3A_266 : i32 to vector<128xi32>
    %add3A_268 = arith.addi %max3A_265, %add3A_267 : vector<128xi32>
    %swap3A_269 = arith.constant 5 : index
    %swap3A_270 = arith.constant 0 : index
    %swap3A_271 = vector.load %arg1[%swap3A_269, %swap3A_270] : memref<16x128xi32, #tpu.memory_space<vmem>>, vector<1x128xi32>
    %swap3A_272 = vector.shape_cast %swap3A_271 : vector<1x128xi32> to vector<128xi32>
    %swap3A_273 = vector.shape_cast %add3A_268 : vector<128xi32> to vector<1x128xi32>
    tpu.vector_store %arg1[%swap3A_269, %swap3A_270], %swap3A_273 {strides = array<i32>} : memref<16x128xi32, #tpu.memory_space<vmem>>, vector<1x128xi32>,
    %ge3A_274 = arith.constant 0 : i32
    %ge3A_275 = vector.broadcast %ge3A_274 : i32 to vector<128xi32>
    %ge3A_276 = arith.cmpi sge, %reduce_max3A_262, %ge3A_275 : vector<128xi32>
    %convert_element_type3A_277 = arith.extui %ge3A_276 : vector<128xi1> to vector<128xi32>
    %convert_element_type3A_278 = arith.sitofp %convert_element_type3A_277 : vector<128xi32> to vector<128xf32>
    %swap3A_279 = arith.constant 5 : index
    %swap3A_280 = arith.constant 0 : index
    %swap3A_281 = arith.constant 0 : index
    %swap3A_282 = vector.load %arg2[%swap3A_279, %swap3A_280, %swap3A_281] : memref<16x1x128xf32, #tpu.memory_space<vmem>>, vector<1x1x128xf32>
    %swap3A_283 = vector.shape_cast %swap3A_282 : vector<1x1x128xf32> to vector<128xf32>
    %swap3A_284 = vector.shape_cast %convert_element_type3A_278 : vector<128xf32> to vector<1x1x128xf32>
    tpu.vector_store %arg2[%swap3A_279, %swap3A_280, %swap3A_281], %swap3A_284 {strides = array<i32>} : memref<16x1x128xf32, #tpu.memory_space<vmem>>, vector<1x1x128xf32>,
    %get3A_285 = arith.constant 6 : index
    %get3A_286 = arith.constant 0 : index
    %get3A_287 = vector.load %arg0[%get3A_285, %get3A_286] : memref<16x2048xi32, #tpu.memory_space<vmem>>, vector<1x2048xi32>
    %get3A_288 = vector.shape_cast %get3A_287 : vector<1x2048xi32> to vector<2048xi32>
    %ge3A_289 = arith.constant 4 : i32
    %ge3A_290 = vector.broadcast %ge3A_289 : i32 to vector<2048xi32>
    %ge3A_291 = arith.cmpi sge, %get3A_288, %ge3A_290 : vector<2048xi32>
    %le3A_292 = arith.constant 103 : i32
    %le3A_293 = vector.broadcast %le3A_292 : i32 to vector<2048xi32>
    %le3A_294 = arith.cmpi sle, %get3A_288, %le3A_293 : vector<2048xi32>
    %and3A_295 = arith.andi %ge3A_291, %le3A_294 : vector<2048xi1>
    %sub3A_296 = arith.constant 4 : i32
    %sub3A_297 = vector.broadcast %sub3A_296 : i32 to vector<2048xi32>
    %sub3A_298 = arith.subi %get3A_288, %sub3A_297 : vector<2048xi32>
    %jit3A_299 = arith.constant -1 : i32
    %broadcast_in_dim3A_300 = vector.broadcast %jit3A_299 : i32 to vector<2048xi32>
    %select_n3A_301 = arith.select %and3A_295, %sub3A_298, %broadcast_in_dim3A_300 : vector<2048xi1>, vector<2048xi32>
    %broadcast_in_dim3A_302 = vector.shape_cast %select_n3A_301 : vector<2048xi32> to vector<1x2048xi32>
    %broadcast_in_dim3A_303 = vector.shape_cast %broadcast_in_dim3A_302 : vector<1x2048xi32> to vector<1x2048xi32>
    %broadcast_in_dim3A_304 = vector.broadcast %broadcast_in_dim3A_303 : vector<1x2048xi32> to vector<128x2048xi32>
    %iota3A_305 = tpu.iota {dimensions = array<i32: 0>} : vector<128x2048xi32>
    %iota3A_306 = tpu.iota {dimensions = array<i32: 1>} : vector<128x2048xi32>
    %eq3A_307 = arith.cmpi eq, %broadcast_in_dim3A_304, %iota3A_305 : vector<128x2048xi32>
    %jit3A_308 = arith.constant -1 : i32
    %broadcast_in_dim3A_309 = vector.broadcast %jit3A_308 : i32 to vector<128x2048xi32>
    %select_n3A_310 = arith.select %eq3A_307, %iota3A_306, %broadcast_in_dim3A_309 : vector<128x2048xi1>, vector<128x2048xi32>
    %reduce_max3A_311 = arith.constant dense<-2147483648> : vector<128xi32>
    %reduce_max3A_312 = vector.multi_reduction <maxsi>, %select_n3A_310, %reduce_max3A_311 [1] : vector<128x2048xi32> to vector<128xi32>
    %max3A_313 = arith.constant 0 : i32
    %max3A_314 = vector.broadcast %max3A_313 : i32 to vector<128xi32>
    %max3A_315 = arith.maxsi %reduce_max3A_312, %max3A_314 : vector<128xi32>
    %add3A_316 = arith.constant 12288 : i32
    %add3A_317 = vector.broadcast %add3A_316 : i32 to vector<128xi32>
    %add3A_318 = arith.addi %max3A_315, %add3A_317 : vector<128xi32>
    %swap3A_319 = arith.constant 6 : index
    %swap3A_320 = arith.constant 0 : index
    %swap3A_321 = vector.load %arg1[%swap3A_319, %swap3A_320] : memref<16x128xi32, #tpu.memory_space<vmem>>, vector<1x128xi32>
    %swap3A_322 = vector.shape_cast %swap3A_321 : vector<1x128xi32> to vector<128xi32>
    %swap3A_323 = vector.shape_cast %add3A_318 : vector<128xi32> to vector<1x128xi32>
    tpu.vector_store %arg1[%swap3A_319, %swap3A_320], %swap3A_323 {strides = array<i32>} : memref<16x128xi32, #tpu.memory_space<vmem>>, vector<1x128xi32>,
    %ge3A_324 = arith.constant 0 : i32
    %ge3A_325 = vector.broadcast %ge3A_324 : i32 to vector<128xi32>
    %ge3A_326 = arith.cmpi sge, %reduce_max3A_312, %ge3A_325 : vector<128xi32>
    %convert_element_type3A_327 = arith.extui %ge3A_326 : vector<128xi1> to vector<128xi32>
    %convert_element_type3A_328 = arith.sitofp %convert_element_type3A_327 : vector<128xi32> to vector<128xf32>
    %swap3A_329 = arith.constant 6 : index
    %swap3A_330 = arith.constant 0 : index
    %swap3A_331 = arith.constant 0 : index
    %swap3A_332 = vector.load %arg2[%swap3A_329, %swap3A_330, %swap3A_331] : memref<16x1x128xf32, #tpu.memory_space<vmem>>, vector<1x1x128xf32>
    %swap3A_333 = vector.shape_cast %swap3A_332 : vector<1x1x128xf32> to vector<128xf32>
    %swap3A_334 = vector.shape_cast %convert_element_type3A_328 : vector<128xf32> to vector<1x1x128xf32>
    tpu.vector_store %arg2[%swap3A_329, %swap3A_330, %swap3A_331], %swap3A_334 {strides = array<i32>} : memref<16x1x128xf32, #tpu.memory_space<vmem>>, vector<1x1x128xf32>,
    %get3A_335 = arith.constant 7 : index
    %get3A_336 = arith.constant 0 : index
    %get3A_337 = vector.load %arg0[%get3A_335, %get3A_336] : memref<16x2048xi32, #tpu.memory_space<vmem>>, vector<1x2048xi32>
    %get3A_338 = vector.shape_cast %get3A_337 : vector<1x2048xi32> to vector<2048xi32>
    %ge3A_339 = arith.constant 4 : i32
    %ge3A_340 = vector.broadcast %ge3A_339 : i32 to vector<2048xi32>
    %ge3A_341 = arith.cmpi sge, %get3A_338, %ge3A_340 : vector<2048xi32>
    %le3A_342 = arith.constant 103 : i32
    %le3A_343 = vector.broadcast %le3A_342 : i32 to vector<2048xi32>
    %le3A_344 = arith.cmpi sle, %get3A_338, %le3A_343 : vector<2048xi32>
    %and3A_345 = arith.andi %ge3A_341, %le3A_344 : vector<2048xi1>
    %sub3A_346 = arith.constant 4 : i32
    %sub3A_347 = vector.broadcast %sub3A_346 : i32 to vector<2048xi32>
    %sub3A_348 = arith.subi %get3A_338, %sub3A_347 : vector<2048xi32>
    %jit3A_349 = arith.constant -1 : i32
    %broadcast_in_dim3A_350 = vector.broadcast %jit3A_349 : i32 to vector<2048xi32>
    %select_n3A_351 = arith.select %and3A_345, %sub3A_348, %broadcast_in_dim3A_350 : vector<2048xi1>, vector<2048xi32>
    %broadcast_in_dim3A_352 = vector.shape_cast %select_n3A_351 : vector<2048xi32> to vector<1x2048xi32>
    %broadcast_in_dim3A_353 = vector.shape_cast %broadcast_in_dim3A_352 : vector<1x2048xi32> to vector<1x2048xi32>
    %broadcast_in_dim3A_354 = vector.broadcast %broadcast_in_dim3A_353 : vector<1x2048xi32> to vector<128x2048xi32>
    %iota3A_355 = tpu.iota {dimensions = array<i32: 0>} : vector<128x2048xi32>
    %iota3A_356 = tpu.iota {dimensions = array<i32: 1>} : vector<128x2048xi32>
    %eq3A_357 = arith.cmpi eq, %broadcast_in_dim3A_354, %iota3A_355 : vector<128x2048xi32>
    %jit3A_358 = arith.constant -1 : i32
    %broadcast_in_dim3A_359 = vector.broadcast %jit3A_358 : i32 to vector<128x2048xi32>
    %select_n3A_360 = arith.select %eq3A_357, %iota3A_356, %broadcast_in_dim3A_359 : vector<128x2048xi1>, vector<128x2048xi32>
    %reduce_max3A_361 = arith.constant dense<-2147483648> : vector<128xi32>
    %reduce_max3A_362 = vector.multi_reduction <maxsi>, %select_n3A_360, %reduce_max3A_361 [1] : vector<128x2048xi32> to vector<128xi32>
    %max3A_363 = arith.constant 0 : i32
    %max3A_364 = vector.broadcast %max3A_363 : i32 to vector<128xi32>
    %max3A_365 = arith.maxsi %reduce_max3A_362, %max3A_364 : vector<128xi32>
    %add3A_366 = arith.constant 14336 : i32
    %add3A_367 = vector.broadcast %add3A_366 : i32 to vector<128xi32>
    %add3A_368 = arith.addi %max3A_365, %add3A_367 : vector<128xi32>
    %swap3A_369 = arith.constant 7 : index
    %swap3A_370 = arith.constant 0 : index
    %swap3A_371 = vector.load %arg1[%swap3A_369, %swap3A_370] : memref<16x128xi32, #tpu.memory_space<vmem>>, vector<1x128xi32>
    %swap3A_372 = vector.shape_cast %swap3A_371 : vector<1x128xi32> to vector<128xi32>
    %swap3A_373 = vector.shape_cast %add3A_368 : vector<128xi32> to vector<1x128xi32>
    tpu.vector_store %arg1[%swap3A_369, %swap3A_370], %swap3A_373 {strides = array<i32>} : memref<16x128xi32, #tpu.memory_space<vmem>>, vector<1x128xi32>,
    %ge3A_374 = arith.constant 0 : i32
    %ge3A_375 = vector.broadcast %ge3A_374 : i32 to vector<128xi32>
    %ge3A_376 = arith.cmpi sge, %reduce_max3A_362, %ge3A_375 : vector<128xi32>
    %convert_element_type3A_377 = arith.extui %ge3A_376 : vector<128xi1> to vector<128xi32>
    %convert_element_type3A_378 = arith.sitofp %convert_element_type3A_377 : vector<128xi32> to vector<128xf32>
    %swap3A_379 = arith.constant 7 : index
    %swap3A_380 = arith.constant 0 : index
    %swap3A_381 = arith.constant 0 : index
    %swap3A_382 = vector.load %arg2[%swap3A_379, %swap3A_380, %swap3A_381] : memref<16x1x128xf32, #tpu.memory_space<vmem>>, vector<1x1x128xf32>
    %swap3A_383 = vector.shape_cast %swap3A_382 : vector<1x1x128xf32> to vector<128xf32>
    %swap3A_384 = vector.shape_cast %convert_element_type3A_378 : vector<128xf32> to vector<1x1x128xf32>
    tpu.vector_store %arg2[%swap3A_379, %swap3A_380, %swap3A_381], %swap3A_384 {strides = array<i32>} : memref<16x1x128xf32, #tpu.memory_space<vmem>>, vector<1x1x128xf32>,
    %get3A_385 = arith.constant 8 : index
    %get3A_386 = arith.constant 0 : index
    %get3A_387 = vector.load %arg0[%get3A_385, %get3A_386] : memref<16x2048xi32, #tpu.memory_space<vmem>>, vector<1x2048xi32>
    %get3A_388 = vector.shape_cast %get3A_387 : vector<1x2048xi32> to vector<2048xi32>
    %ge3A_389 = arith.constant 4 : i32
    %ge3A_390 = vector.broadcast %ge3A_389 : i32 to vector<2048xi32>
    %ge3A_391 = arith.cmpi sge, %get3A_388, %ge3A_390 : vector<2048xi32>
    %le3A_392 = arith.constant 103 : i32
    %le3A_393 = vector.broadcast %le3A_392 : i32 to vector<2048xi32>
    %le3A_394 = arith.cmpi sle, %get3A_388, %le3A_393 : vector<2048xi32>
    %and3A_395 = arith.andi %ge3A_391, %le3A_394 : vector<2048xi1>
    %sub3A_396 = arith.constant 4 : i32
    %sub3A_397 = vector.broadcast %sub3A_396 : i32 to vector<2048xi32>
    %sub3A_398 = arith.subi %get3A_388, %sub3A_397 : vector<2048xi32>
    %jit3A_399 = arith.constant -1 : i32
    %broadcast_in_dim3A_400 = vector.broadcast %jit3A_399 : i32 to vector<2048xi32>
    %select_n3A_401 = arith.select %and3A_395, %sub3A_398, %broadcast_in_dim3A_400 : vector<2048xi1>, vector<2048xi32>
    %broadcast_in_dim3A_402 = vector.shape_cast %select_n3A_401 : vector<2048xi32> to vector<1x2048xi32>
    %broadcast_in_dim3A_403 = vector.shape_cast %broadcast_in_dim3A_402 : vector<1x2048xi32> to vector<1x2048xi32>
    %broadcast_in_dim3A_404 = vector.broadcast %broadcast_in_dim3A_403 : vector<1x2048xi32> to vector<128x2048xi32>
    %iota3A_405 = tpu.iota {dimensions = array<i32: 0>} : vector<128x2048xi32>
    %iota3A_406 = tpu.iota {dimensions = array<i32: 1>} : vector<128x2048xi32>
    %eq3A_407 = arith.cmpi eq, %broadcast_in_dim3A_404, %iota3A_405 : vector<128x2048xi32>
    %jit3A_408 = arith.constant -1 : i32
    %broadcast_in_dim3A_409 = vector.broadcast %jit3A_408 : i32 to vector<128x2048xi32>
    %select_n3A_410 = arith.select %eq3A_407, %iota3A_406, %broadcast_in_dim3A_409 : vector<128x2048xi1>, vector<128x2048xi32>
    %reduce_max3A_411 = arith.constant dense<-2147483648> : vector<128xi32>
    %reduce_max3A_412 = vector.multi_reduction <maxsi>, %select_n3A_410, %reduce_max3A_411 [1] : vector<128x2048xi32> to vector<128xi32>
    %max3A_413 = arith.constant 0 : i32
    %max3A_414 = vector.broadcast %max3A_413 : i32 to vector<128xi32>
    %max3A_415 = arith.maxsi %reduce_max3A_412, %max3A_414 : vector<128xi32>
    %add3A_416 = arith.constant 16384 : i32
    %add3A_417 = vector.broadcast %add3A_416 : i32 to vector<128xi32>
    %add3A_418 = arith.addi %max3A_415, %add3A_417 : vector<128xi32>
    %swap3A_419 = arith.constant 8 : index
    %swap3A_420 = arith.constant 0 : index
    %swap3A_421 = vector.load %arg1[%swap3A_419, %swap3A_420] : memref<16x128xi32, #tpu.memory_space<vmem>>, vector<1x128xi32>
    %swap3A_422 = vector.shape_cast %swap3A_421 : vector<1x128xi32> to vector<128xi32>
    %swap3A_423 = vector.shape_cast %add3A_418 : vector<128xi32> to vector<1x128xi32>
    tpu.vector_store %arg1[%swap3A_419, %swap3A_420], %swap3A_423 {strides = array<i32>} : memref<16x128xi32, #tpu.memory_space<vmem>>, vector<1x128xi32>,
    %ge3A_424 = arith.constant 0 : i32
    %ge3A_425 = vector.broadcast %ge3A_424 : i32 to vector<128xi32>
    %ge3A_426 = arith.cmpi sge, %reduce_max3A_412, %ge3A_425 : vector<128xi32>
    %convert_element_type3A_427 = arith.extui %ge3A_426 : vector<128xi1> to vector<128xi32>
    %convert_element_type3A_428 = arith.sitofp %convert_element_type3A_427 : vector<128xi32> to vector<128xf32>
    %swap3A_429 = arith.constant 8 : index
    %swap3A_430 = arith.constant 0 : index
    %swap3A_431 = arith.constant 0 : index
    %swap3A_432 = vector.load %arg2[%swap3A_429, %swap3A_430, %swap3A_431] : memref<16x1x128xf32, #tpu.memory_space<vmem>>, vector<1x1x128xf32>
    %swap3A_433 = vector.shape_cast %swap3A_432 : vector<1x1x128xf32> to vector<128xf32>
    %swap3A_434 = vector.shape_cast %convert_element_type3A_428 : vector<128xf32> to vector<1x1x128xf32>
    tpu.vector_store %arg2[%swap3A_429, %swap3A_430, %swap3A_431], %swap3A_434 {strides = array<i32>} : memref<16x1x128xf32, #tpu.memory_space<vmem>>, vector<1x1x128xf32>,
    %get3A_435 = arith.constant 9 : index
    %get3A_436 = arith.constant 0 : index
    %get3A_437 = vector.load %arg0[%get3A_435, %get3A_436] : memref<16x2048xi32, #tpu.memory_space<vmem>>, vector<1x2048xi32>
    %get3A_438 = vector.shape_cast %get3A_437 : vector<1x2048xi32> to vector<2048xi32>
    %ge3A_439 = arith.constant 4 : i32
    %ge3A_440 = vector.broadcast %ge3A_439 : i32 to vector<2048xi32>
    %ge3A_441 = arith.cmpi sge, %get3A_438, %ge3A_440 : vector<2048xi32>
    %le3A_442 = arith.constant 103 : i32
    %le3A_443 = vector.broadcast %le3A_442 : i32 to vector<2048xi32>
    %le3A_444 = arith.cmpi sle, %get3A_438, %le3A_443 : vector<2048xi32>
    %and3A_445 = arith.andi %ge3A_441, %le3A_444 : vector<2048xi1>
    %sub3A_446 = arith.constant 4 : i32
    %sub3A_447 = vector.broadcast %sub3A_446 : i32 to vector<2048xi32>
    %sub3A_448 = arith.subi %get3A_438, %sub3A_447 : vector<2048xi32>
    %jit3A_449 = arith.constant -1 : i32
    %broadcast_in_dim3A_450 = vector.broadcast %jit3A_449 : i32 to vector<2048xi32>
    %select_n3A_451 = arith.select %and3A_445, %sub3A_448, %broadcast_in_dim3A_450 : vector<2048xi1>, vector<2048xi32>
    %broadcast_in_dim3A_452 = vector.shape_cast %select_n3A_451 : vector<2048xi32> to vector<1x2048xi32>
    %broadcast_in_dim3A_453 = vector.shape_cast %broadcast_in_dim3A_452 : vector<1x2048xi32> to vector<1x2048xi32>
    %broadcast_in_dim3A_454 = vector.broadcast %broadcast_in_dim3A_453 : vector<1x2048xi32> to vector<128x2048xi32>
    %iota3A_455 = tpu.iota {dimensions = array<i32: 0>} : vector<128x2048xi32>
    %iota3A_456 = tpu.iota {dimensions = array<i32: 1>} : vector<128x2048xi32>
    %eq3A_457 = arith.cmpi eq, %broadcast_in_dim3A_454, %iota3A_455 : vector<128x2048xi32>
    %jit3A_458 = arith.constant -1 : i32
    %broadcast_in_dim3A_459 = vector.broadcast %jit3A_458 : i32 to vector<128x2048xi32>
    %select_n3A_460 = arith.select %eq3A_457, %iota3A_456, %broadcast_in_dim3A_459 : vector<128x2048xi1>, vector<128x2048xi32>
    %reduce_max3A_461 = arith.constant dense<-2147483648> : vector<128xi32>
    %reduce_max3A_462 = vector.multi_reduction <maxsi>, %select_n3A_460, %reduce_max3A_461 [1] : vector<128x2048xi32> to vector<128xi32>
    %max3A_463 = arith.constant 0 : i32
    %max3A_464 = vector.broadcast %max3A_463 : i32 to vector<128xi32>
    %max3A_465 = arith.maxsi %reduce_max3A_462, %max3A_464 : vector<128xi32>
    %add3A_466 = arith.constant 18432 : i32
    %add3A_467 = vector.broadcast %add3A_466 : i32 to vector<128xi32>
    %add3A_468 = arith.addi %max3A_465, %add3A_467 : vector<128xi32>
    %swap3A_469 = arith.constant 9 : index
    %swap3A_470 = arith.constant 0 : index
    %swap3A_471 = vector.load %arg1[%swap3A_469, %swap3A_470] : memref<16x128xi32, #tpu.memory_space<vmem>>, vector<1x128xi32>
    %swap3A_472 = vector.shape_cast %swap3A_471 : vector<1x128xi32> to vector<128xi32>
    %swap3A_473 = vector.shape_cast %add3A_468 : vector<128xi32> to vector<1x128xi32>
    tpu.vector_store %arg1[%swap3A_469, %swap3A_470], %swap3A_473 {strides = array<i32>} : memref<16x128xi32, #tpu.memory_space<vmem>>, vector<1x128xi32>,
    %ge3A_474 = arith.constant 0 : i32
    %ge3A_475 = vector.broadcast %ge3A_474 : i32 to vector<128xi32>
    %ge3A_476 = arith.cmpi sge, %reduce_max3A_462, %ge3A_475 : vector<128xi32>
    %convert_element_type3A_477 = arith.extui %ge3A_476 : vector<128xi1> to vector<128xi32>
    %convert_element_type3A_478 = arith.sitofp %convert_element_type3A_477 : vector<128xi32> to vector<128xf32>
    %swap3A_479 = arith.constant 9 : index
    %swap3A_480 = arith.constant 0 : index
    %swap3A_481 = arith.constant 0 : index
    %swap3A_482 = vector.load %arg2[%swap3A_479, %swap3A_480, %swap3A_481] : memref<16x1x128xf32, #tpu.memory_space<vmem>>, vector<1x1x128xf32>
    %swap3A_483 = vector.shape_cast %swap3A_482 : vector<1x1x128xf32> to vector<128xf32>
    %swap3A_484 = vector.shape_cast %convert_element_type3A_478 : vector<128xf32> to vector<1x1x128xf32>
    tpu.vector_store %arg2[%swap3A_479, %swap3A_480, %swap3A_481], %swap3A_484 {strides = array<i32>} : memref<16x1x128xf32, #tpu.memory_space<vmem>>, vector<1x1x128xf32>,
    %get3A_485 = arith.constant 10 : index
    %get3A_486 = arith.constant 0 : index
    %get3A_487 = vector.load %arg0[%get3A_485, %get3A_486] : memref<16x2048xi32, #tpu.memory_space<vmem>>, vector<1x2048xi32>
    %get3A_488 = vector.shape_cast %get3A_487 : vector<1x2048xi32> to vector<2048xi32>
    %ge3A_489 = arith.constant 4 : i32
    %ge3A_490 = vector.broadcast %ge3A_489 : i32 to vector<2048xi32>
    %ge3A_491 = arith.cmpi sge, %get3A_488, %ge3A_490 : vector<2048xi32>
    %le3A_492 = arith.constant 103 : i32
    %le3A_493 = vector.broadcast %le3A_492 : i32 to vector<2048xi32>
    %le3A_494 = arith.cmpi sle, %get3A_488, %le3A_493 : vector<2048xi32>
    %and3A_495 = arith.andi %ge3A_491, %le3A_494 : vector<2048xi1>
    %sub3A_496 = arith.constant 4 : i32
    %sub3A_497 = vector.broadcast %sub3A_496 : i32 to vector<2048xi32>
    %sub3A_498 = arith.subi %get3A_488, %sub3A_497 : vector<2048xi32>
    %jit3A_499 = arith.constant -1 : i32
    %broadcast_in_dim3A_500 = vector.broadcast %jit3A_499 : i32 to vector<2048xi32>
    %select_n3A_501 = arith.select %and3A_495, %sub3A_498, %broadcast_in_dim3A_500 : vector<2048xi1>, vector<2048xi32>
    %broadcast_in_dim3A_502 = vector.shape_cast %select_n3A_501 : vector<2048xi32> to vector<1x2048xi32>
    %broadcast_in_dim3A_503 = vector.shape_cast %broadcast_in_dim3A_502 : vector<1x2048xi32> to vector<1x2048xi32>
    %broadcast_in_dim3A_504 = vector.broadcast %broadcast_in_dim3A_503 : vector<1x2048xi32> to vector<128x2048xi32>
    %iota3A_505 = tpu.iota {dimensions = array<i32: 0>} : vector<128x2048xi32>
    %iota3A_506 = tpu.iota {dimensions = array<i32: 1>} : vector<128x2048xi32>
    %eq3A_507 = arith.cmpi eq, %broadcast_in_dim3A_504, %iota3A_505 : vector<128x2048xi32>
    %jit3A_508 = arith.constant -1 : i32
    %broadcast_in_dim3A_509 = vector.broadcast %jit3A_508 : i32 to vector<128x2048xi32>
    %select_n3A_510 = arith.select %eq3A_507, %iota3A_506, %broadcast_in_dim3A_509 : vector<128x2048xi1>, vector<128x2048xi32>
    %reduce_max3A_511 = arith.constant dense<-2147483648> : vector<128xi32>
    %reduce_max3A_512 = vector.multi_reduction <maxsi>, %select_n3A_510, %reduce_max3A_511 [1] : vector<128x2048xi32> to vector<128xi32>
    %max3A_513 = arith.constant 0 : i32
    %max3A_514 = vector.broadcast %max3A_513 : i32 to vector<128xi32>
    %max3A_515 = arith.maxsi %reduce_max3A_512, %max3A_514 : vector<128xi32>
    %add3A_516 = arith.constant 20480 : i32
    %add3A_517 = vector.broadcast %add3A_516 : i32 to vector<128xi32>
    %add3A_518 = arith.addi %max3A_515, %add3A_517 : vector<128xi32>
    %swap3A_519 = arith.constant 10 : index
    %swap3A_520 = arith.constant 0 : index
    %swap3A_521 = vector.load %arg1[%swap3A_519, %swap3A_520] : memref<16x128xi32, #tpu.memory_space<vmem>>, vector<1x128xi32>
    %swap3A_522 = vector.shape_cast %swap3A_521 : vector<1x128xi32> to vector<128xi32>
    %swap3A_523 = vector.shape_cast %add3A_518 : vector<128xi32> to vector<1x128xi32>
    tpu.vector_store %arg1[%swap3A_519, %swap3A_520], %swap3A_523 {strides = array<i32>} : memref<16x128xi32, #tpu.memory_space<vmem>>, vector<1x128xi32>,
    %ge3A_524 = arith.constant 0 : i32
    %ge3A_525 = vector.broadcast %ge3A_524 : i32 to vector<128xi32>
    %ge3A_526 = arith.cmpi sge, %reduce_max3A_512, %ge3A_525 : vector<128xi32>
    %convert_element_type3A_527 = arith.extui %ge3A_526 : vector<128xi1> to vector<128xi32>
    %convert_element_type3A_528 = arith.sitofp %convert_element_type3A_527 : vector<128xi32> to vector<128xf32>
    %swap3A_529 = arith.constant 10 : index
    %swap3A_530 = arith.constant 0 : index
    %swap3A_531 = arith.constant 0 : index
    %swap3A_532 = vector.load %arg2[%swap3A_529, %swap3A_530, %swap3A_531] : memref<16x1x128xf32, #tpu.memory_space<vmem>>, vector<1x1x128xf32>
    %swap3A_533 = vector.shape_cast %swap3A_532 : vector<1x1x128xf32> to vector<128xf32>
    %swap3A_534 = vector.shape_cast %convert_element_type3A_528 : vector<128xf32> to vector<1x1x128xf32>
    tpu.vector_store %arg2[%swap3A_529, %swap3A_530, %swap3A_531], %swap3A_534 {strides = array<i32>} : memref<16x1x128xf32, #tpu.memory_space<vmem>>, vector<1x1x128xf32>,
    %get3A_535 = arith.constant 11 : index
    %get3A_536 = arith.constant 0 : index
    %get3A_537 = vector.load %arg0[%get3A_535, %get3A_536] : memref<16x2048xi32, #tpu.memory_space<vmem>>, vector<1x2048xi32>
    %get3A_538 = vector.shape_cast %get3A_537 : vector<1x2048xi32> to vector<2048xi32>
    %ge3A_539 = arith.constant 4 : i32
    %ge3A_540 = vector.broadcast %ge3A_539 : i32 to vector<2048xi32>
    %ge3A_541 = arith.cmpi sge, %get3A_538, %ge3A_540 : vector<2048xi32>
    %le3A_542 = arith.constant 103 : i32
    %le3A_543 = vector.broadcast %le3A_542 : i32 to vector<2048xi32>
    %le3A_544 = arith.cmpi sle, %get3A_538, %le3A_543 : vector<2048xi32>
    %and3A_545 = arith.andi %ge3A_541, %le3A_544 : vector<2048xi1>
    %sub3A_546 = arith.constant 4 : i32
    %sub3A_547 = vector.broadcast %sub3A_546 : i32 to vector<2048xi32>
    %sub3A_548 = arith.subi %get3A_538, %sub3A_547 : vector<2048xi32>
    %jit3A_549 = arith.constant -1 : i32
    %broadcast_in_dim3A_550 = vector.broadcast %jit3A_549 : i32 to vector<2048xi32>
    %select_n3A_551 = arith.select %and3A_545, %sub3A_548, %broadcast_in_dim3A_550 : vector<2048xi1>, vector<2048xi32>
    %broadcast_in_dim3A_552 = vector.shape_cast %select_n3A_551 : vector<2048xi32> to vector<1x2048xi32>
    %broadcast_in_dim3A_553 = vector.shape_cast %broadcast_in_dim3A_552 : vector<1x2048xi32> to vector<1x2048xi32>
    %broadcast_in_dim3A_554 = vector.broadcast %broadcast_in_dim3A_553 : vector<1x2048xi32> to vector<128x2048xi32>
    %iota3A_555 = tpu.iota {dimensions = array<i32: 0>} : vector<128x2048xi32>
    %iota3A_556 = tpu.iota {dimensions = array<i32: 1>} : vector<128x2048xi32>
    %eq3A_557 = arith.cmpi eq, %broadcast_in_dim3A_554, %iota3A_555 : vector<128x2048xi32>
    %jit3A_558 = arith.constant -1 : i32
    %broadcast_in_dim3A_559 = vector.broadcast %jit3A_558 : i32 to vector<128x2048xi32>
    %select_n3A_560 = arith.select %eq3A_557, %iota3A_556, %broadcast_in_dim3A_559 : vector<128x2048xi1>, vector<128x2048xi32>
    %reduce_max3A_561 = arith.constant dense<-2147483648> : vector<128xi32>
    %reduce_max3A_562 = vector.multi_reduction <maxsi>, %select_n3A_560, %reduce_max3A_561 [1] : vector<128x2048xi32> to vector<128xi32>
    %max3A_563 = arith.constant 0 : i32
    %max3A_564 = vector.broadcast %max3A_563 : i32 to vector<128xi32>
    %max3A_565 = arith.maxsi %reduce_max3A_562, %max3A_564 : vector<128xi32>
    %add3A_566 = arith.constant 22528 : i32
    %add3A_567 = vector.broadcast %add3A_566 : i32 to vector<128xi32>
    %add3A_568 = arith.addi %max3A_565, %add3A_567 : vector<128xi32>
    %swap3A_569 = arith.constant 11 : index
    %swap3A_570 = arith.constant 0 : index
    %swap3A_571 = vector.load %arg1[%swap3A_569, %swap3A_570] : memref<16x128xi32, #tpu.memory_space<vmem>>, vector<1x128xi32>
    %swap3A_572 = vector.shape_cast %swap3A_571 : vector<1x128xi32> to vector<128xi32>
    %swap3A_573 = vector.shape_cast %add3A_568 : vector<128xi32> to vector<1x128xi32>
    tpu.vector_store %arg1[%swap3A_569, %swap3A_570], %swap3A_573 {strides = array<i32>} : memref<16x128xi32, #tpu.memory_space<vmem>>, vector<1x128xi32>,
    %ge3A_574 = arith.constant 0 : i32
    %ge3A_575 = vector.broadcast %ge3A_574 : i32 to vector<128xi32>
    %ge3A_576 = arith.cmpi sge, %reduce_max3A_562, %ge3A_575 : vector<128xi32>
    %convert_element_type3A_577 = arith.extui %ge3A_576 : vector<128xi1> to vector<128xi32>
    %convert_element_type3A_578 = arith.sitofp %convert_element_type3A_577 : vector<128xi32> to vector<128xf32>
    %swap3A_579 = arith.constant 11 : index
    %swap3A_580 = arith.constant 0 : index
    %swap3A_581 = arith.constant 0 : index
    %swap3A_582 = vector.load %arg2[%swap3A_579, %swap3A_580, %swap3A_581] : memref<16x1x128xf32, #tpu.memory_space<vmem>>, vector<1x1x128xf32>
    %swap3A_583 = vector.shape_cast %swap3A_582 : vector<1x1x128xf32> to vector<128xf32>
    %swap3A_584 = vector.shape_cast %convert_element_type3A_578 : vector<128xf32> to vector<1x1x128xf32>
    tpu.vector_store %arg2[%swap3A_579, %swap3A_580, %swap3A_581], %swap3A_584 {strides = array<i32>} : memref<16x1x128xf32, #tpu.memory_space<vmem>>, vector<1x1x128xf32>,
    %get3A_585 = arith.constant 12 : index
    %get3A_586 = arith.constant 0 : index
    %get3A_587 = vector.load %arg0[%get3A_585, %get3A_586] : memref<16x2048xi32, #tpu.memory_space<vmem>>, vector<1x2048xi32>
    %get3A_588 = vector.shape_cast %get3A_587 : vector<1x2048xi32> to vector<2048xi32>
    %ge3A_589 = arith.constant 4 : i32
    %ge3A_590 = vector.broadcast %ge3A_589 : i32 to vector<2048xi32>
    %ge3A_591 = arith.cmpi sge, %get3A_588, %ge3A_590 : vector<2048xi32>
    %le3A_592 = arith.constant 103 : i32
    %le3A_593 = vector.broadcast %le3A_592 : i32 to vector<2048xi32>
    %le3A_594 = arith.cmpi sle, %get3A_588, %le3A_593 : vector<2048xi32>
    %and3A_595 = arith.andi %ge3A_591, %le3A_594 : vector<2048xi1>
    %sub3A_596 = arith.constant 4 : i32
    %sub3A_597 = vector.broadcast %sub3A_596 : i32 to vector<2048xi32>
    %sub3A_598 = arith.subi %get3A_588, %sub3A_597 : vector<2048xi32>
    %jit3A_599 = arith.constant -1 : i32
    %broadcast_in_dim3A_600 = vector.broadcast %jit3A_599 : i32 to vector<2048xi32>
    %select_n3A_601 = arith.select %and3A_595, %sub3A_598, %broadcast_in_dim3A_600 : vector<2048xi1>, vector<2048xi32>
    %broadcast_in_dim3A_602 = vector.shape_cast %select_n3A_601 : vector<2048xi32> to vector<1x2048xi32>
    %broadcast_in_dim3A_603 = vector.shape_cast %broadcast_in_dim3A_602 : vector<1x2048xi32> to vector<1x2048xi32>
    %broadcast_in_dim3A_604 = vector.broadcast %broadcast_in_dim3A_603 : vector<1x2048xi32> to vector<128x2048xi32>
    %iota3A_605 = tpu.iota {dimensions = array<i32: 0>} : vector<128x2048xi32>
    %iota3A_606 = tpu.iota {dimensions = array<i32: 1>} : vector<128x2048xi32>
    %eq3A_607 = arith.cmpi eq, %broadcast_in_dim3A_604, %iota3A_605 : vector<128x2048xi32>
    %jit3A_608 = arith.constant -1 : i32
    %broadcast_in_dim3A_609 = vector.broadcast %jit3A_608 : i32 to vector<128x2048xi32>
    %select_n3A_610 = arith.select %eq3A_607, %iota3A_606, %broadcast_in_dim3A_609 : vector<128x2048xi1>, vector<128x2048xi32>
    %reduce_max3A_611 = arith.constant dense<-2147483648> : vector<128xi32>
    %reduce_max3A_612 = vector.multi_reduction <maxsi>, %select_n3A_610, %reduce_max3A_611 [1] : vector<128x2048xi32> to vector<128xi32>
    %max3A_613 = arith.constant 0 : i32
    %max3A_614 = vector.broadcast %max3A_613 : i32 to vector<128xi32>
    %max3A_615 = arith.maxsi %reduce_max3A_612, %max3A_614 : vector<128xi32>
    %add3A_616 = arith.constant 24576 : i32
    %add3A_617 = vector.broadcast %add3A_616 : i32 to vector<128xi32>
    %add3A_618 = arith.addi %max3A_615, %add3A_617 : vector<128xi32>
    %swap3A_619 = arith.constant 12 : index
    %swap3A_620 = arith.constant 0 : index
    %swap3A_621 = vector.load %arg1[%swap3A_619, %swap3A_620] : memref<16x128xi32, #tpu.memory_space<vmem>>, vector<1x128xi32>
    %swap3A_622 = vector.shape_cast %swap3A_621 : vector<1x128xi32> to vector<128xi32>
    %swap3A_623 = vector.shape_cast %add3A_618 : vector<128xi32> to vector<1x128xi32>
    tpu.vector_store %arg1[%swap3A_619, %swap3A_620], %swap3A_623 {strides = array<i32>} : memref<16x128xi32, #tpu.memory_space<vmem>>, vector<1x128xi32>,
    %ge3A_624 = arith.constant 0 : i32
    %ge3A_625 = vector.broadcast %ge3A_624 : i32 to vector<128xi32>
    %ge3A_626 = arith.cmpi sge, %reduce_max3A_612, %ge3A_625 : vector<128xi32>
    %convert_element_type3A_627 = arith.extui %ge3A_626 : vector<128xi1> to vector<128xi32>
    %convert_element_type3A_628 = arith.sitofp %convert_element_type3A_627 : vector<128xi32> to vector<128xf32>
    %swap3A_629 = arith.constant 12 : index
    %swap3A_630 = arith.constant 0 : index
    %swap3A_631 = arith.constant 0 : index
    %swap3A_632 = vector.load %arg2[%swap3A_629, %swap3A_630, %swap3A_631] : memref<16x1x128xf32, #tpu.memory_space<vmem>>, vector<1x1x128xf32>
    %swap3A_633 = vector.shape_cast %swap3A_632 : vector<1x1x128xf32> to vector<128xf32>
    %swap3A_634 = vector.shape_cast %convert_element_type3A_628 : vector<128xf32> to vector<1x1x128xf32>
    tpu.vector_store %arg2[%swap3A_629, %swap3A_630, %swap3A_631], %swap3A_634 {strides = array<i32>} : memref<16x1x128xf32, #tpu.memory_space<vmem>>, vector<1x1x128xf32>,
    %get3A_635 = arith.constant 13 : index
    %get3A_636 = arith.constant 0 : index
    %get3A_637 = vector.load %arg0[%get3A_635, %get3A_636] : memref<16x2048xi32, #tpu.memory_space<vmem>>, vector<1x2048xi32>
    %get3A_638 = vector.shape_cast %get3A_637 : vector<1x2048xi32> to vector<2048xi32>
    %ge3A_639 = arith.constant 4 : i32
    %ge3A_640 = vector.broadcast %ge3A_639 : i32 to vector<2048xi32>
    %ge3A_641 = arith.cmpi sge, %get3A_638, %ge3A_640 : vector<2048xi32>
    %le3A_642 = arith.constant 103 : i32
    %le3A_643 = vector.broadcast %le3A_642 : i32 to vector<2048xi32>
    %le3A_644 = arith.cmpi sle, %get3A_638, %le3A_643 : vector<2048xi32>
    %and3A_645 = arith.andi %ge3A_641, %le3A_644 : vector<2048xi1>
    %sub3A_646 = arith.constant 4 : i32
    %sub3A_647 = vector.broadcast %sub3A_646 : i32 to vector<2048xi32>
    %sub3A_648 = arith.subi %get3A_638, %sub3A_647 : vector<2048xi32>
    %jit3A_649 = arith.constant -1 : i32
    %broadcast_in_dim3A_650 = vector.broadcast %jit3A_649 : i32 to vector<2048xi32>
    %select_n3A_651 = arith.select %and3A_645, %sub3A_648, %broadcast_in_dim3A_650 : vector<2048xi1>, vector<2048xi32>
    %broadcast_in_dim3A_652 = vector.shape_cast %select_n3A_651 : vector<2048xi32> to vector<1x2048xi32>
    %broadcast_in_dim3A_653 = vector.shape_cast %broadcast_in_dim3A_652 : vector<1x2048xi32> to vector<1x2048xi32>
    %broadcast_in_dim3A_654 = vector.broadcast %broadcast_in_dim3A_653 : vector<1x2048xi32> to vector<128x2048xi32>
    %iota3A_655 = tpu.iota {dimensions = array<i32: 0>} : vector<128x2048xi32>
    %iota3A_656 = tpu.iota {dimensions = array<i32: 1>} : vector<128x2048xi32>
    %eq3A_657 = arith.cmpi eq, %broadcast_in_dim3A_654, %iota3A_655 : vector<128x2048xi32>
    %jit3A_658 = arith.constant -1 : i32
    %broadcast_in_dim3A_659 = vector.broadcast %jit3A_658 : i32 to vector<128x2048xi32>
    %select_n3A_660 = arith.select %eq3A_657, %iota3A_656, %broadcast_in_dim3A_659 : vector<128x2048xi1>, vector<128x2048xi32>
    %reduce_max3A_661 = arith.constant dense<-2147483648> : vector<128xi32>
    %reduce_max3A_662 = vector.multi_reduction <maxsi>, %select_n3A_660, %reduce_max3A_661 [1] : vector<128x2048xi32> to vector<128xi32>
    %max3A_663 = arith.constant 0 : i32
    %max3A_664 = vector.broadcast %max3A_663 : i32 to vector<128xi32>
    %max3A_665 = arith.maxsi %reduce_max3A_662, %max3A_664 : vector<128xi32>
    %add3A_666 = arith.constant 26624 : i32
    %add3A_667 = vector.broadcast %add3A_666 : i32 to vector<128xi32>
    %add3A_668 = arith.addi %max3A_665, %add3A_667 : vector<128xi32>
    %swap3A_669 = arith.constant 13 : index
    %swap3A_670 = arith.constant 0 : index
    %swap3A_671 = vector.load %arg1[%swap3A_669, %swap3A_670] : memref<16x128xi32, #tpu.memory_space<vmem>>, vector<1x128xi32>
    %swap3A_672 = vector.shape_cast %swap3A_671 : vector<1x128xi32> to vector<128xi32>
    %swap3A_673 = vector.shape_cast %add3A_668 : vector<128xi32> to vector<1x128xi32>
    tpu.vector_store %arg1[%swap3A_669, %swap3A_670], %swap3A_673 {strides = array<i32>} : memref<16x128xi32, #tpu.memory_space<vmem>>, vector<1x128xi32>,
    %ge3A_674 = arith.constant 0 : i32
    %ge3A_675 = vector.broadcast %ge3A_674 : i32 to vector<128xi32>
    %ge3A_676 = arith.cmpi sge, %reduce_max3A_662, %ge3A_675 : vector<128xi32>
    %convert_element_type3A_677 = arith.extui %ge3A_676 : vector<128xi1> to vector<128xi32>
    %convert_element_type3A_678 = arith.sitofp %convert_element_type3A_677 : vector<128xi32> to vector<128xf32>
    %swap3A_679 = arith.constant 13 : index
    %swap3A_680 = arith.constant 0 : index
    %swap3A_681 = arith.constant 0 : index
    %swap3A_682 = vector.load %arg2[%swap3A_679, %swap3A_680, %swap3A_681] : memref<16x1x128xf32, #tpu.memory_space<vmem>>, vector<1x1x128xf32>
    %swap3A_683 = vector.shape_cast %swap3A_682 : vector<1x1x128xf32> to vector<128xf32>
    %swap3A_684 = vector.shape_cast %convert_element_type3A_678 : vector<128xf32> to vector<1x1x128xf32>
    tpu.vector_store %arg2[%swap3A_679, %swap3A_680, %swap3A_681], %swap3A_684 {strides = array<i32>} : memref<16x1x128xf32, #tpu.memory_space<vmem>>, vector<1x1x128xf32>,
    %get3A_685 = arith.constant 14 : index
    %get3A_686 = arith.constant 0 : index
    %get3A_687 = vector.load %arg0[%get3A_685, %get3A_686] : memref<16x2048xi32, #tpu.memory_space<vmem>>, vector<1x2048xi32>
    %get3A_688 = vector.shape_cast %get3A_687 : vector<1x2048xi32> to vector<2048xi32>
    %ge3A_689 = arith.constant 4 : i32
    %ge3A_690 = vector.broadcast %ge3A_689 : i32 to vector<2048xi32>
    %ge3A_691 = arith.cmpi sge, %get3A_688, %ge3A_690 : vector<2048xi32>
    %le3A_692 = arith.constant 103 : i32
    %le3A_693 = vector.broadcast %le3A_692 : i32 to vector<2048xi32>
    %le3A_694 = arith.cmpi sle, %get3A_688, %le3A_693 : vector<2048xi32>
    %and3A_695 = arith.andi %ge3A_691, %le3A_694 : vector<2048xi1>
    %sub3A_696 = arith.constant 4 : i32
    %sub3A_697 = vector.broadcast %sub3A_696 : i32 to vector<2048xi32>
    %sub3A_698 = arith.subi %get3A_688, %sub3A_697 : vector<2048xi32>
    %jit3A_699 = arith.constant -1 : i32
    %broadcast_in_dim3A_700 = vector.broadcast %jit3A_699 : i32 to vector<2048xi32>
    %select_n3A_701 = arith.select %and3A_695, %sub3A_698, %broadcast_in_dim3A_700 : vector<2048xi1>, vector<2048xi32>
    %broadcast_in_dim3A_702 = vector.shape_cast %select_n3A_701 : vector<2048xi32> to vector<1x2048xi32>
    %broadcast_in_dim3A_703 = vector.shape_cast %broadcast_in_dim3A_702 : vector<1x2048xi32> to vector<1x2048xi32>
    %broadcast_in_dim3A_704 = vector.broadcast %broadcast_in_dim3A_703 : vector<1x2048xi32> to vector<128x2048xi32>
    %iota3A_705 = tpu.iota {dimensions = array<i32: 0>} : vector<128x2048xi32>
    %iota3A_706 = tpu.iota {dimensions = array<i32: 1>} : vector<128x2048xi32>
    %eq3A_707 = arith.cmpi eq, %broadcast_in_dim3A_704, %iota3A_705 : vector<128x2048xi32>
    %jit3A_708 = arith.constant -1 : i32
    %broadcast_in_dim3A_709 = vector.broadcast %jit3A_708 : i32 to vector<128x2048xi32>
    %select_n3A_710 = arith.select %eq3A_707, %iota3A_706, %broadcast_in_dim3A_709 : vector<128x2048xi1>, vector<128x2048xi32>
    %reduce_max3A_711 = arith.constant dense<-2147483648> : vector<128xi32>
    %reduce_max3A_712 = vector.multi_reduction <maxsi>, %select_n3A_710, %reduce_max3A_711 [1] : vector<128x2048xi32> to vector<128xi32>
    %max3A_713 = arith.constant 0 : i32
    %max3A_714 = vector.broadcast %max3A_713 : i32 to vector<128xi32>
    %max3A_715 = arith.maxsi %reduce_max3A_712, %max3A_714 : vector<128xi32>
    %add3A_716 = arith.constant 28672 : i32
    %add3A_717 = vector.broadcast %add3A_716 : i32 to vector<128xi32>
    %add3A_718 = arith.addi %max3A_715, %add3A_717 : vector<128xi32>
    %swap3A_719 = arith.constant 14 : index
    %swap3A_720 = arith.constant 0 : index
    %swap3A_721 = vector.load %arg1[%swap3A_719, %swap3A_720] : memref<16x128xi32, #tpu.memory_space<vmem>>, vector<1x128xi32>
    %swap3A_722 = vector.shape_cast %swap3A_721 : vector<1x128xi32> to vector<128xi32>
    %swap3A_723 = vector.shape_cast %add3A_718 : vector<128xi32> to vector<1x128xi32>
    tpu.vector_store %arg1[%swap3A_719, %swap3A_720], %swap3A_723 {strides = array<i32>} : memref<16x128xi32, #tpu.memory_space<vmem>>, vector<1x128xi32>,
    %ge3A_724 = arith.constant 0 : i32
    %ge3A_725 = vector.broadcast %ge3A_724 : i32 to vector<128xi32>
    %ge3A_726 = arith.cmpi sge, %reduce_max3A_712, %ge3A_725 : vector<128xi32>
    %convert_element_type3A_727 = arith.extui %ge3A_726 : vector<128xi1> to vector<128xi32>
    %convert_element_type3A_728 = arith.sitofp %convert_element_type3A_727 : vector<128xi32> to vector<128xf32>
    %swap3A_729 = arith.constant 14 : index
    %swap3A_730 = arith.constant 0 : index
    %swap3A_731 = arith.constant 0 : index
    %swap3A_732 = vector.load %arg2[%swap3A_729, %swap3A_730, %swap3A_731] : memref<16x1x128xf32, #tpu.memory_space<vmem>>, vector<1x1x128xf32>
    %swap3A_733 = vector.shape_cast %swap3A_732 : vector<1x1x128xf32> to vector<128xf32>
    %swap3A_734 = vector.shape_cast %convert_element_type3A_728 : vector<128xf32> to vector<1x1x128xf32>
    tpu.vector_store %arg2[%swap3A_729, %swap3A_730, %swap3A_731], %swap3A_734 {strides = array<i32>} : memref<16x1x128xf32, #tpu.memory_space<vmem>>, vector<1x1x128xf32>,
    %get3A_735 = arith.constant 15 : index
    %get3A_736 = arith.constant 0 : index
    %get3A_737 = vector.load %arg0[%get3A_735, %get3A_736] : memref<16x2048xi32, #tpu.memory_space<vmem>>, vector<1x2048xi32>
    %get3A_738 = vector.shape_cast %get3A_737 : vector<1x2048xi32> to vector<2048xi32>
    %ge3A_739 = arith.constant 4 : i32
    %ge3A_740 = vector.broadcast %ge3A_739 : i32 to vector<2048xi32>
    %ge3A_741 = arith.cmpi sge, %get3A_738, %ge3A_740 : vector<2048xi32>
    %le3A_742 = arith.constant 103 : i32
    %le3A_743 = vector.broadcast %le3A_742 : i32 to vector<2048xi32>
    %le3A_744 = arith.cmpi sle, %get3A_738, %le3A_743 : vector<2048xi32>
    %and3A_745 = arith.andi %ge3A_741, %le3A_744 : vector<2048xi1>
    %sub3A_746 = arith.constant 4 : i32
    %sub3A_747 = vector.broadcast %sub3A_746 : i32 to vector<2048xi32>
    %sub3A_748 = arith.subi %get3A_738, %sub3A_747 : vector<2048xi32>
    %jit3A_749 = arith.constant -1 : i32
    %broadcast_in_dim3A_750 = vector.broadcast %jit3A_749 : i32 to vector<2048xi32>
    %select_n3A_751 = arith.select %and3A_745, %sub3A_748, %broadcast_in_dim3A_750 : vector<2048xi1>, vector<2048xi32>
    %broadcast_in_dim3A_752 = vector.shape_cast %select_n3A_751 : vector<2048xi32> to vector<1x2048xi32>
    %broadcast_in_dim3A_753 = vector.shape_cast %broadcast_in_dim3A_752 : vector<1x2048xi32> to vector<1x2048xi32>
    %broadcast_in_dim3A_754 = vector.broadcast %broadcast_in_dim3A_753 : vector<1x2048xi32> to vector<128x2048xi32>
    %iota3A_755 = tpu.iota {dimensions = array<i32: 0>} : vector<128x2048xi32>
    %iota3A_756 = tpu.iota {dimensions = array<i32: 1>} : vector<128x2048xi32>
    %eq3A_757 = arith.cmpi eq, %broadcast_in_dim3A_754, %iota3A_755 : vector<128x2048xi32>
    %jit3A_758 = arith.constant -1 : i32
    %broadcast_in_dim3A_759 = vector.broadcast %jit3A_758 : i32 to vector<128x2048xi32>
    %select_n3A_760 = arith.select %eq3A_757, %iota3A_756, %broadcast_in_dim3A_759 : vector<128x2048xi1>, vector<128x2048xi32>
    %reduce_max3A_761 = arith.constant dense<-2147483648> : vector<128xi32>
    %reduce_max3A_762 = vector.multi_reduction <maxsi>, %select_n3A_760, %reduce_max3A_761 [1] : vector<128x2048xi32> to vector<128xi32>
    %max3A_763 = arith.constant 0 : i32
    %max3A_764 = vector.broadcast %max3A_763 : i32 to vector<128xi32>
    %max3A_765 = arith.maxsi %reduce_max3A_762, %max3A_764 : vector<128xi32>
    %add3A_766 = arith.constant 30720 : i32
    %add3A_767 = vector.broadcast %add3A_766 : i32 to vector<128xi32>
    %add3A_768 = arith.addi %max3A_765, %add3A_767 : vector<128xi32>
    %swap3A_769 = arith.constant 15 : index
    %swap3A_770 = arith.constant 0 : index
    %swap3A_771 = vector.load %arg1[%swap3A_769, %swap3A_770] : memref<16x128xi32, #tpu.memory_space<vmem>>, vector<1x128xi32>
    %swap3A_772 = vector.shape_cast %swap3A_771 : vector<1x128xi32> to vector<128xi32>
    %swap3A_773 = vector.shape_cast %add3A_768 : vector<128xi32> to vector<1x128xi32>
    tpu.vector_store %arg1[%swap3A_769, %swap3A_770], %swap3A_773 {strides = array<i32>} : memref<16x128xi32, #tpu.memory_space<vmem>>, vector<1x128xi32>,
    %ge3A_774 = arith.constant 0 : i32
    %ge3A_775 = vector.broadcast %ge3A_774 : i32 to vector<128xi32>
    %ge3A_776 = arith.cmpi sge, %reduce_max3A_762, %ge3A_775 : vector<128xi32>
    %convert_element_type3A_777 = arith.extui %ge3A_776 : vector<128xi1> to vector<128xi32>
    %convert_element_type3A_778 = arith.sitofp %convert_element_type3A_777 : vector<128xi32> to vector<128xf32>
    %swap3A_779 = arith.constant 15 : index
    %swap3A_780 = arith.constant 0 : index
    %swap3A_781 = arith.constant 0 : index
    %swap3A_782 = vector.load %arg2[%swap3A_779, %swap3A_780, %swap3A_781] : memref<16x1x128xf32, #tpu.memory_space<vmem>>, vector<1x1x128xf32>
    %swap3A_783 = vector.shape_cast %swap3A_782 : vector<1x1x128xf32> to vector<128xf32>
    %swap3A_784 = vector.shape_cast %convert_element_type3A_778 : vector<128xf32> to vector<1x1x128xf32>
    tpu.vector_store %arg2[%swap3A_779, %swap3A_780, %swap3A_781], %swap3A_784 {strides = array<i32>} : memref<16x1x128xf32, #tpu.memory_space<vmem>>, vector<1x1x128xf32>,
    return
  }
}

</mosaic_0001>

<sc_bundles>
// kernel: kernel.6.cloned.1.call-start
scs
__scs_entry_jumppad:
0x0: {  	(pc) =	sbr.rel $0x88, $3  }
0x1: {  	(tag) =	ssettag $0x0;
	lr =	simm.s32 $0x1  }
0x2: {  	[smem:$0x3F9B] =	sst lr;
	_ =	strace $0xD0000000  }
0x3: {  	_ = 	snop  }
0x4: {  	_ = 	snop  }
0x5: {  	_ = 	snop  }
0x6: {  	_ = 	snop  }
0x7: {  	_ = 	snop  }
__scs_overlays_trampoline_lowered:
0x8: {  	[smem:$0x3FAA] =	sst s0  }
0x9: {  	[smem:$0x3FAB] =	sst s1  }
0xa: {  	[smem:$0x3FAC] =	sst s2  }
0xb: {  	[smem:$0x3FAD] =	sst s3  }
0xc: {  	[smem:$0x3FAE] =	sst s4  }
0xd: {  	[smem:$0x3FAF] =	sst s5  }
0xe: {  	[smem:$0x3FB0] =	sst s6  }
0xf: {  	[smem:$0x3FB1] =	sst s7  }
0x10: {  	[smem:$0x3FB2] =	sst s8  }
0x11: {  	[smem:$0x3FB3] =	sst s9;
	s0 =	simm.s32 @!p0 $0x0  }
0x12: {  	s1 =	sld [smem:$0x3F99];
	s0 =	simm.s32 @p0 $0x1  }
0x13: {  	[smem:$0x3FB4] =	sst s0;
	s0 =	simm.s32 @!p1 $0x0  }
0x14: {  	s2 =	sld [smem:$0x3F98];
	s0 =	simm.s32 @p1 $0x1  }
0x15: {  	[smem:$0x3FB5] =	sst s0;
	s0 =	simm.s32 @!p2 $0x0  }
0x16: {  	s3 =	sld [smem:$0x3FDB];
	s0 =	simm.s32 @p2 $0x1  }
0x17: {  	s4 =	simm.s32 $0x1BF5;
	[smem:$0x3FB7] =	sst s0  }
0x18: {  	s0 =	sld [smem:$0x3F9A];
	_ =	swait.ge [sflag:s4], $0x0  }
0x19: {  	s7 =	sld [smem:$0x3F9B]  }
0x1a: {  	s8 =	sadd.s32 $0xFFFFE003, lr  }
0x1b: {  	s9 =	sadd.s32 $0xFFFFFEF7, lr;
	s5 =	simm.s32 $0xFFFFFFFF;
	p2 =	slt.u32 s8, $0xFFFFF086  }
0x1c: {  	p1 =	slt.u32 s9, $0xF7A;
	s5 =	simm.s32 @!p2 $0x0  }
0x1d: {  	s5 =	simm.s32 @p1 $0x1;
	p0 =	seq.s32 s7, s2  }
0x1e: {  	s7 =	smul.u32 @!p0 $0xF7A, s2;
	p2 =	seq.s32 @!p0 s5, $0x0  }
0x1f: {  	s9 =	smul.u32 $0xF7A, s1;
	s8 =	simm.s32 @!p0 $0x1BF5;
	p2 =	por !p2, p0  }
0x20: {  	[sflag:s8] =	ssyncset.s32 @!p0 $0xFFFFF086;
	s6 =	sadd.s32 @!p0 s3, s7;
	s7 =	simm.s32 @!p0 $0x108  }
0x21: {  	s3 =	sadd.s32 s3, s9;
	s6 =	sadd.s32 @!p0 $0x88, s6;
	s7 =	simm.s32 @p2 $0x1082  }
0x22: {  	[simem:s7], [sflag:s8] =	dma.local @!p0 [hbm:s6], $0xF7A  }
0x23: {  	s9 =	sor.u32 $0xD0000000, s2;
	s6 =	simm.s32 $0x108;
	_ =	swait.ge @!p0 [sflag:s8], $0x0  }
0x24: {  	s3 =	sadd.s32 $0x88, s3;
	s6 =	simm.s32 @!p1 $0x1082;
	[sflag:s4] =	ssyncset.s32 $0xFFFFF086  }
0x25: {  	[simem:s6], [sflag:s4] =	dma.local [hbm:s3], $0xF7A  }
0x26: {  	[smem:$0x3F9B] =	sst s1;
	(tag) =	ssettag s2;
	_ =	strace s9  }
0x27: {  	s1 =	sld [smem:$0x3FAB]  }
0x28: {  	s2 =	sld [smem:$0x3FAC]  }
0x29: {  	s4 =	sld [smem:$0x3FAE]  }
0x2a: {  	p0 =	seq.s32 s5, $0x0;
	s5 =	sld [smem:$0x3FAF]  }
0x2b: {  	s6 =	sld [smem:$0x3FB0]  }
0x2c: {  	s7 =	sld [smem:$0x3FB1]  }
0x2d: {  	s3 =	simm.s32 $0x108;
	s8 =	sld [smem:$0x3FB2]  }
0x2e: {  	s3 =	simm.s32 @!p0 $0x1082;
	s9 =	sld [smem:$0x3FB3]  }
0x2f: {  	lr =	sadd.s32 s0, s3;
	s0 =	sld [smem:$0x3FAA]  }
0x30: {  	s3 =	sld [smem:$0x3FAD]  }
0x31: {  	[smem:$0x3FB6] =	sst s10  }
0x32: {  	s10 =	sld [smem:$0x3FB4];
	_ =	sdelay $0x3  }
0x33: {  	p0 =	seq.s32 s10, $0x1;
	s10 =	sld [smem:$0x3FB6];
	_ =	sdelay $0x3  }
0x34: {  	[smem:$0x3FB6] =	sst s10  }
0x35: {  	s10 =	sld [smem:$0x3FB5];
	_ =	sdelay $0x3  }
0x36: {  	p1 =	seq.s32 s10, $0x1;
	s10 =	sld [smem:$0x3FB6];
	_ =	sdelay $0x3  }
0x37: {  	[smem:$0x3FB6] =	sst s10  }
0x38: {  	s10 =	sld [smem:$0x3FB7]  }
0x39: {  	_ = 	snop;
	(pc) =	sbr.ind lr, $3  }
0x3a: {  	_ = 	snop  }
0x3b: {  	_ = 	snop  }
0x3c: {  	p2 =	seq.s32 s10, $0x1;
	s10 =	sld [smem:$0x3FB6]  }
0x3d: {  	_ =	shalt  }
0x3e: {  	_ =	shalt  }
0x3f: {  	_ =	shalt  }
0x40: {  	_ =	shalt  }
0x41: {  	_ =	shalt  }
0x42: {  	_ =	shalt  }
0x43: {  	_ =	shalt  }
0x44: {  	_ =	shalt  }
0x45: {  	_ =	shalt  }
0x46: {  	_ =	shalt  }
0x47: {  	_ =	shalt  }
0x48: {  	_ =	shalt  }
0x49: {  	_ =	shalt  }
0x4a: {  	_ =	shalt  }
0x4b: {  	_ =	shalt  }
0x4c: {  	_ =	shalt  }
0x4d: {  	_ =	shalt  }
0x4e: {  	_ =	shalt  }
0x4f: {  	_ =	shalt  }
0x50: {  	_ =	shalt  }
0x51: {  	_ =	shalt  }
0x52: {  	_ =	shalt  }
0x53: {  	_ =	shalt  }
0x54: {  	_ =	shalt  }
0x55: {  	_ =	shalt  }
0x56: {  	_ =	shalt  }
0x57: {  	_ =	shalt  }
0x58: {  	_ =	shalt  }
0x59: {  	_ =	shalt  }
0x5a: {  	_ =	shalt  }
0x5b: {  	_ =	shalt  }
0x5c: {  	_ =	shalt  }
0x5d: {  	_ =	shalt  }
0x5e: {  	_ =	shalt  }
0x5f: {  	_ =	shalt  }
0x60: {  	_ =	shalt  }
0x61: {  	_ =	shalt  }
0x62: {  	_ =	shalt  }
0x63: {  	_ =	shalt  }
0x64: {  	_ =	shalt  }
0x65: {  	_ =	shalt  }
0x66: {  	_ =	shalt  }
0x67: {  	_ =	shalt  }
0x68: {  	_ =	shalt  }
0x69: {  	_ =	shalt  }
0x6a: {  	_ =	shalt  }
0x6b: {  	_ =	shalt  }
0x6c: {  	_ =	shalt  }
0x6d: {  	_ =	shalt  }
0x6e: {  	_ =	shalt  }
0x6f: {  	_ =	shalt  }
0x70: {  	_ =	shalt  }
0x71: {  	_ =	shalt  }
0x72: {  	_ =	shalt  }
0x73: {  	_ =	shalt  }
0x74: {  	_ =	shalt  }
0x75: {  	_ =	shalt  }
0x76: {  	_ =	shalt  }
0x77: {  	_ =	shalt  }
0x78: {  	_ =	shalt  }
0x79: {  	_ =	shalt  }
0x7a: {  	_ =	shalt  }
0x7b: {  	_ =	shalt  }
0x7c: {  	_ =	shalt  }
0x7d: {  	_ =	shalt  }
0x7e: {  	_ =	shalt  }
0x7f: {  	_ =	shalt  }
0x80: {  	_ =	shalt  }
0x81: {  	_ =	shalt  }
0x82: {  	_ =	shalt  }
0x83: {  	_ =	shalt  }
0x84: {  	_ =	shalt  }
0x85: {  	_ =	shalt  }
0x86: {  	_ =	shalt  }
0x87: {  	_ =	shalt  }
.Lfunc_end0:
.L_simem_size_0:
called_computation_lowered:
.L_overlay_start_0:
0x88: {  	s2 =	sld [smem:$0x3FD9]  }
0x89: {  	s3 =	sld [smem:$0x3FFE];
	_ =	sdelay $0x1  }
0x8a: {  	s1 =	srdreg.scid  }
0x8b: {  	s0 =	sand.u32 $0x1, s1  }
0x8c: {  	s17 =	sshll.u32 s0, $0xA;
	s2 =	sadd.s32 s3, s2  }
0x8d: {  	s2 =	sadd.s32 s2, s17  }
0x8e: {  	[smem:$0x3FC2] =	sst s2  }
0x8f: {  	_ = 	snop  }
0x90: {  	s2 =	sld [smem:$0x3FC9]  }
0x91: {  	s18 =	sld [smem:$0x3FD0];
	(tm) =	ssettm $0x1  }
0x92: {  	s4 =	sld [smem:$0x3FFB];
	_ =	sdelay $0x3  }
0x93: {  	_ =	strace s4  }
0x94: {  	s4 =	sld [smem:$0x3FFC];
	_ =	sdelay $0x3  }
0x95: {  	_ =	strace s4  }
0x96: {  	s4 =	sld [smem:$0x3FFD];
	_ =	sdelay $0x3  }
0x97: {  	_ =	strace s4  }
0x98: {  	_ =	strace $0x8FFFFFFF  }
0x99: {  	s19 =	sld [smem:$0x3FDB];
	_ =	sdelay $0x1  }
0x9a: {  	s5 =	simm.s32 $_scs_section_size  }
0x9b: {  	s6 =	simm.s32 $_size__tile_overlayer_lowered;
	s7 =	simm.s32 $_tile_overlayer_lowered  }
0x9c: {  	s22 =	simm.s32 $0x1BFF;
	s21 =	sshll.u32 s7, $0x1;
	s4 =	sadd.s32 s5, s19  }
0x9d: {  	s8 =	simm.s32 $0x0;
	s20 =	sshll.u32 s6, $0x1;
	s6 =	sadd.s32 s21, s4  }
0x9e: {  	[timem:s8], [sflag:s22] =	dma.local [hbm:s6], s20  }
0x9f: {  	_ =	swait.ge [sflag:s22], s20  }
0xa0: {  	s5 =	ssub.s32 $0x0, s20;
	[sflag:s22] =	ssyncset.done $0x0  }
0xa1: {  	[sflag:s22] =	ssyncadd.s32 s5;
	_ =	sdelay $0x1  }
0xa2: {  	s23 =	simm.s32 $0x1B8B  }
0xa3: {  	_ =	swait.ge [sflag:s23], $0x1  }
0xa4: {  	[sflag:s23] =	ssyncset.done $0x0  }
0xa5: {  	s25 =	simm.s32 $0x1B8E;
	s24 =	sld [smem:$0x3FFE];
	[sflag:s23] =	ssyncadd.s32 $0xFFFFFFFF  }
0xa6: {  	s26 =	simm.s32 $execute0_lowered;
	[smem:$0x3FD2] =	sst s25  }
0xa7: {  	s6 =	sshll.u32 s26, $0x1;
	_ =	strace $0x80000046;
	[dreg:$0x1] =	wrdreg $0xFFFFFFFF  }
0xa8: {  	s28 =	simm.s32 $_size_execute0_lowered;
	s4 =	sadd.s32 s4, s6;
	[dreg:$0x0] =	wrdreg $0x0  }
0xa9: {  	s6 =	sshll.u32 s28, $0x1;
	[dreg:$0x2] =	wrdreg s4  }
0xaa: {  	[dreg:$0x3] =	wrdreg s6  }
0xab: {  	[dreg:$0x4] =	wrdreg $0xC0  }
0xac: {  	_ =	task [dreg:s8], $0x5FFFF  }
0xad: {  	[dreg:$0x1] =	wrdreg $0xFFFFFFFF  }
0xae: {  	[dreg:$0x0] =	wrdreg $0x60  }
0xaf: {  	[dreg:$0x2] =	wrdreg s2  }
0xb0: {  	[dreg:$0x3] =	wrdreg s24  }
0xb1: {  	[dreg:$0x4] =	wrdreg s18  }
0xb2: {  	[dreg:$0x5] =	wrdreg $0x9  }
0xb3: {  	_ =	task.clear_ibuf [dreg:s8], $0x6FFFF;
	_ =	strace $0x90000046  }
0xb4: {  	s29 =	simm.s32 $0x9;
	_ =	strace $0x80000048  }
0xb5: {  	_ =	swait.ge [sflag:s29], $0x1  }
0xb6: {  	[sflag:s29] =	ssyncadd.s32 $0xFFFFFFFF  }
0xb7: {  	_ =	strace $0x90000048  }
0xb8: {  	_ =	sfence  }
0xb9: {  	s30 =	sld [smem:$0x0];
	_ =	sdelay $0x2  }
0xba: {  	s31 =	sshll.u32 s1, $0xD;
	s1 =	sshrl.u32 s1, $0x2  }
0xbb: {  	s3 =	sand.u32 $0x4000, s31;
	s1 =	sadd.s32 s1, s30  }
0xbc: {  	s0 =	sor.u32 s3, s0;
	s1 =	sshll.u32 s1, $0x11  }
0xbd: {  	s0 =	sor.u32 s1, s0  }
0xbe: {  	s0 =	sadd.s32 $0x8F2B, s0  }
0xbf: {  	[sflag:s0] =	ssyncadd.remote.s32 $0x1  }
0xc0: {  	_ =	sfence.sel $0xFFFF  }
0xc1: {  	[dreg:$0x0] =	wrdreg $0xFFFFFFFF;
	(pc) =	sbr.abs _section_cstart, $3  }
0xc2: {  	[dreg:$0x1] =	wrdreg $0xFFFFFFFF  }
0xc3: {  	_ =	task.clear_ibuf [dreg:s8], $0x2FFFF;
	_ =	strace $0x9FFFFFFF  }
0xc4: {  	(tm) =	ssettm $0x7FFFFFFF  }
0xc5: {  	_ =	shalt  }
tec
execute0_lowered:
.L_overlay_start_1:
0x0: {  	(tag) =	ssettag $0x1  }
0x1: {  	s1 =	rddreg [dreg:$0x0]  }
0x2: {  	s2 =	srdreg.scid;
	s4 =	rddreg [dreg:$0x1]  }
0x3: {  	s0 =	stileid.u32;
	s6 =	rddreg [dreg:$0x2]  }
0x4: {  	s3 =	simm.s32 $0x0;
	s9 =	simm.s32 $0x880;
	s10 =	simm.s32 $0x1080  }
0x5: {  	s11 =	simm.s32 $0x1880;
	s12 =	simm.s32 $0x2080;
	s13 =	simm.s32 $0x2880  }
0x6: {  	s14 =	simm.s32 $0x3080;
	s15 =	simm.s32 $0x3880;
	s16 =	simm.s32 $0x1  }
0x7: {  	s5 =	sand.u32 $0x1, s2;
	s7 =	sshll.u32 s0, $0x7;
	s2 =	rddreg [dreg:$0x3]  }
0x8: {  	[smem:$0x7FF] =	sst s3;
	s8 =	sshll.u32 s5, $0x6;
	s5 =	ssub.s32 $0x2, s5  }
0x9: {  	_ =	strace $0x80000047;
	s7 =	sor.u32 s8, s7;
	s30 =	sshrl.u32 s5, $0x1  }
0xa: {  	v2 =	vlaneseq.u32;
	s8 =	sshrl.u32 s7, $0x3;
	s31 =	sshll.u32 s7, $0x5;
	s7 =	simm.s32 $0x2  }
0xb: {  	vm0 =	vmmov $0xffff;
	v1 =	vshrl.u32 v2, $0x3;
	s4 =	sadd.s32 s8, s4;
	s8 =	ssub.s32 s5, s30;
	s5 =	sadd.s32 s6, s31  }
0xc: {  	v0 =	vand.u32 $0x7, v2;
	v2 =	vor.u32 $0x8, v2;
	v1 =	vmul.u32 $0x8, v1;
	s4 =	sadd.s32 $0x1600, s4;
	s6 =	smax.u32 s8, $0x1;
	s8 =	simm.s32 $0x80  }
.LBB2_1:
0xd: {  	[tilespmem:s3], [sflag:$0x2] =	stream.linear.gather [hbm4b:s4+s3], $0x40, $0x38;
	[tilespmem:$0x4080] =	vst v63  }
0xe: {  	_ =	swait.ge [sflag:s7], $0x40  }
0xf: {  	[sflag:s7] =	ssyncset.done $0x0  }
0x10: {  	[sflag:s7] =	ssyncadd.s32 $0xFFFFFFC0  }
0x11: {  	v3 =	vld [tilespmem:$0x0];
	_ =	sdelay $0x4  }
0x12: {  	v4 =	vshll.u32 v3, $0x1  }
0x13: {  	v3 =	vand.u32 $0x7, v3;
	v4 =	vand.u32 $0xFFFFFFF0, v4  }
0x14: {  	v3 =	vor.u32 v3, v4  }
0x15: {  	v4 =	vperm.xlane v3, v0;
	_ =	sdelay $0x1  }
0x16: {  	v3 =	vperm.xlane v3, v2;
	v4 =	vadd.s32 v1, v4;
	_ =	sdelay $0x1  }
0x17: {  	v3 =	vadd.s32 v1, v3;
	_ =	sdelay $0x2  }
0x18: {  	[tilespmem:s8], [sflag:$0x1] =	stream.indirect_vreg.gather [hbm4b:s1+s3], $0x80, v4, vm0, $0xb8;
	[tilespmem:$0x4080] =	vst v63  }
0x19: {  	_ = 	snop  }
0x1a: {  	[tilespmem:s9], [sflag:$0x1] =	stream.indirect_vreg.gather [hbm4b:s1+s3], $0x80, v3, vm0, $0xb8;
	[tilespmem:$0x4080] =	vst v63  }
0x1b: {  	v3 =	vld [tilespmem:$0x10];
	_ =	sdelay $0x4  }
0x1c: {  	v61 =	vshll.u32 v3, $0x1  }
0x1d: {  	v3 =	vand.u32 $0x7, v3;
	v4 =	vand.u32 $0xFFFFFFF0, v61  }
0x1e: {  	v3 =	vor.u32 v3, v4  }
0x1f: {  	v4 =	vperm.xlane v3, v0;
	_ =	sdelay $0x1  }
0x20: {  	v3 =	vperm.xlane v3, v2;
	v4 =	vadd.s32 v1, v4;
	_ =	sdelay $0x1  }
0x21: {  	v3 =	vadd.s32 v1, v3;
	_ =	sdelay $0x2  }
0x22: {  	[tilespmem:s10], [sflag:$0x1] =	stream.indirect_vreg.gather [hbm4b:s1+s3], $0x80, v4, vm0, $0xb8;
	[tilespmem:$0x4080] =	vst v63  }
0x23: {  	_ = 	snop  }
0x24: {  	[tilespmem:s11], [sflag:$0x1] =	stream.indirect_vreg.gather [hbm4b:s1+s3], $0x80, v3, vm0, $0xb8;
	[tilespmem:$0x4080] =	vst v63  }
0x25: {  	v3 =	vld [tilespmem:$0x20];
	_ =	sdelay $0x4  }
0x26: {  	v62 =	vshll.u32 v3, $0x1  }
0x27: {  	v3 =	vand.u32 $0x7, v3;
	v4 =	vand.u32 $0xFFFFFFF0, v62  }
0x28: {  	v3 =	vor.u32 v3, v4  }
0x29: {  	v4 =	vperm.xlane v3, v0;
	_ =	sdelay $0x1  }
0x2a: {  	v3 =	vperm.xlane v3, v2;
	v4 =	vadd.s32 v1, v4;
	_ =	sdelay $0x1  }
0x2b: {  	v3 =	vadd.s32 v1, v3;
	_ =	sdelay $0x2  }
0x2c: {  	[tilespmem:s12], [sflag:$0x1] =	stream.indirect_vreg.gather [hbm4b:s1+s3], $0x80, v4, vm0, $0xb8;
	[tilespmem:$0x4080] =	vst v63  }
0x2d: {  	_ = 	snop  }
0x2e: {  	[tilespmem:s13], [sflag:$0x1] =	stream.indirect_vreg.gather [hbm4b:s1+s3], $0x80, v3, vm0, $0xb8;
	[tilespmem:$0x4080] =	vst v63  }
0x2f: {  	v3 =	vld [tilespmem:$0x30];
	_ =	sdelay $0x4  }
0x30: {  	v63 =	vshll.u32 v3, $0x1  }
0x31: {  	v3 =	vand.u32 $0x7, v3;
	v4 =	vand.u32 $0xFFFFFFF0, v63  }
0x32: {  	v3 =	vor.u32 v3, v4  }
0x33: {  	v4 =	vperm.xlane v3, v0;
	_ =	sdelay $0x1  }
0x34: {  	v3 =	vperm.xlane v3, v2;
	v4 =	vadd.s32 v1, v4;
	_ =	sdelay $0x1  }
0x35: {  	v3 =	vadd.s32 v1, v3;
	_ =	sdelay $0x2  }
0x36: {  	[tilespmem:s14], [sflag:$0x1] =	stream.indirect_vreg.gather [hbm4b:s1+s3], $0x80, v4, vm0, $0xb8;
	[tilespmem:$0x4080] =	vst v63  }
0x37: {  	_ = 	snop  }
0x38: {  	[tilespmem:s15], [sflag:$0x1] =	stream.indirect_vreg.gather [hbm4b:s1+s3], $0x80, v3, vm0, $0xb8;
	[tilespmem:$0x4080] =	vst v63  }
0x39: {  	_ =	swait.ge [sflag:s16], $0x4000  }
0x3a: {  	p0 =	sne.s32 s6, $0x1;
	[sflag:s16] =	ssyncset.done $0x0  }
.Ltmp0:
0x3b: {  	[sflag:s16] =	ssyncadd.s32 $0xFFFFC000;
	(pc) =	sbr.rel @p0 .LBB2_1-.Ltmp0, $4  }
0x3c: {  	[hbm4b:s5+s3] =	stream.linear.scatter [tilespmem:s8], [sflag:$0x2], $0x4000, $0x38;
	[tilespmem:$0x4080] =	vst v63  }
0x3d: {  	_ =	swait.ge [sflag:s7], $0x4000  }
0x3e: {  	[sflag:s7] =	ssyncset.done $0x0  }
0x3f: {  	s6 =	sadd.s32 $0xFFFFFFFF, s6;
	[sflag:s7] =	ssyncadd.s32 $0xFFFFC000  }
0x40: {  	_ =	sfence.sel $0x180000  }
0x41: {  	[bflag:$0x0] =	sbarrier.arrive $0xFFFF  }
0x42: {  	p0 =	sne.s32 s0, $0x0;
	_ =	strace $0x90000047  }
0x43: {  	s0 =	sadd.s32 @!p0 $0x100000, s2;
	[bflag:$0x2] =	sbarrier.arrive $0xFFFF  }
0x44: {  	[sflag:s0] =	ssyncadd.tile.s32 @!p0 $0x1;
	_ =	shalt  }
.Lfunc_end2:
_tile_overlayer_lowered:
.L_overlay_start_2:
0x45: {  	(tag) =	ssettag $0x2  }
0x46: {  	s0 =	rddreg [dreg:$0x0];
	s2 =	stileid.u32  }
0x47: {  	s1 =	rddreg [dreg:$0x1];
	p0 =	sne.s32 s2, $0x0  }
0x48: {  	s3 =	rddreg [dreg:$0x2];
	[bflag:$0x3] =	sbarrier.arrive $0xFFFF;
	s2 =	simm.s32 @!p0 $0x1C02  }
0x49: {  	[timem:s3], [sflag:s2] =	dma.local @!p0 [hbm:s0], s1  }
0x4a: {  	s0 =	simm.s32 @!p0 $0x2  }
0x4b: {  	_ =	swait.ge @!p0 [sflag:s0], s1  }
0x4c: {  	s1 =	ssub.s32 @!p0 $0x0, s1;
	[sflag:s0] =	ssyncset.done @!p0 $0x0  }
0x4d: {  	[sflag:s0] =	ssyncadd.s32 @!p0 s1  }
0x4e: {  	[bflag:$0x3] =	sbarrier.arrive $0xFFFF  }
0x4f: {  	_ =	shalt  }

</sc_bundles>
